<compile_context>
chip_gen: v7x
topology: tpu7x:2x2x1
jax: 0.10.2.dev20260603
libtpu: 0.0.44.dev20260713+nightly
codegen_flags: <defaults>
</compile_context>

<pallas_src>
import functools

import jax
import jax.numpy as jnp
from jax import lax
from jax.experimental import pallas as pl
from jax.experimental.pallas import tpu as pltpu
from jax.experimental.pallas import tpu_sc as plsc

EMB = 64
SCALE = 8.0


@functools.lru_cache(maxsize=None)
def _build_gather(l: int, b: int, vocab: int):
    info = plsc.get_sparse_core_info()
    nc, ns = info.num_cores, info.num_subcores
    nw = nc * ns
    gl, gb = 8, 4
    assert gl * gb == nw and l % gl == 0 and b % gb == 0
    tl, tb = l // gl, b // gb

    mesh = plsc.VectorSubcoreMesh(core_axis_name="c", subcore_axis_name="s")

    @functools.partial(
        pl.kernel,
        mesh=mesh,
        compiler_params=pltpu.CompilerParams(
            use_tc_tiling_on_sc=False, needs_layout_passes=False
        ),
        out_type=jax.ShapeDtypeStruct((l * b // 2, 2 * EMB), jnp.float32),
        scratch_types=[
            pltpu.VMEM((tl, tb), jnp.int32),
            pltpu.VMEM((tb, EMB), jnp.float32),
            pltpu.VMEM((tb, EMB), jnp.float32),
            pltpu.SemaphoreType.DMA,
            pltpu.SemaphoreType.DMA,
            pltpu.SemaphoreType.DMA,
            pltpu.SemaphoreType.DMA,
        ],
    )
    def gather_k(table_hbm, idx_hbm, out_hbm, idx_v, in0, in1, g0, g1, s0, s1):
        ins = (in0, in1)
        gsems = (g0, g1)
        ssems = (s0, s1)
        wid = lax.axis_index("s") * nc + lax.axis_index("c")
        l0 = (wid // gb) * tl
        b0 = (wid % gb) * tb
        pltpu.sync_copy(idx_hbm.at[pl.ds(l0, tl), pl.ds(b0, tb)], idx_v)

        def gather_start(c, bf):
            pltpu.async_copy(table_hbm.at[idx_v.at[c]], ins[bf], gsems[bf])

        hb = b // 2
        p0 = b0 // hb
        r0 = b0 - p0 * hb

        def out_copy(c, bf):
            return pltpu.make_async_copy(
                ins[bf],
                out_hbm.at[
                    pl.ds((l0 + c) * hb + r0, tb), pl.ds(p0 * EMB, EMB)
                ],
                ssems[bf],
            )

        gather_start(0, 0)
        gather_start(1, 1)
        for c in range(tl):
            bf = c % 2
            pltpu.make_async_copy(
                table_hbm.at[idx_v.at[c]], ins[bf], gsems[bf]
            ).wait()
            out_copy(c, bf).start()
            if c + 2 < tl:
                out_copy(c, bf).wait()
                gather_start(c + 2, bf)
        out_copy(tl - 2, (tl - 2) % 2).wait()
        out_copy(tl - 1, (tl - 1) % 2).wait()

    return gather_k


@functools.lru_cache(maxsize=None)
def _build_transpose(l: int, b: int):
    bbn = b // 128
    ebn, ein = EMB // 8, 8
    hb = b // 2

    lc = 8

    def trans_k(x_ref, y_ref):
        for j in range(lc):
            x = x_ref[pl.ds(j * hb, hb), :]
            at = x[:, :EMB].T * SCALE
            bt = x[:, EMB:].T * SCALE
            xt = jnp.concatenate([at, bt], axis=1)
            y = xt.reshape(ebn, ein, bbn, 128).transpose(0, 2, 1, 3)
            y_ref[j] = y.reshape(ebn, bbn, ein, 128)

    return pl.pallas_call(
        trans_k,
        grid=(l // lc,),
        in_specs=[pl.BlockSpec((lc * hb, 2 * EMB), lambda i: (i, 0))],
        out_specs=pl.BlockSpec(
            (lc, ebn, bbn, ein, 128), lambda i: (i, 0, 0, 0, 0)
        ),
        out_shape=jax.ShapeDtypeStruct((l, ebn, bbn, ein, 128), jnp.float32),
    )


def kernel(src, SenEmbedding_dict, embedding_weight):
    l, b = src.shape
    vocab, emb = embedding_weight.shape
    x = _build_gather(l, b, vocab)(embedding_weight, src.astype(jnp.int32))
    y = _build_transpose(l, b)(x)
    return y.transpose(0, 2, 4, 1, 3).reshape(l, b, emb)

# --- scband reference (transcript-rebuilt; emitter-appended) ---
"""Pipeline reference for scband-token-sen-embedding-74053826118053 (READ-ONLY COPY).

The authoritative reference and input builder live on the scoring server;
editing this copy changes nothing except your own understanding.
"""

import jax, jax.numpy as jnp
import numpy as np
import math

VOCAB = 100000
EMB = 64
L = 200
B = 1024

def setup_inputs(seed: int = 0) -> dict:
    key = jax.random.key(seed)
    k1, k2 = jax.random.split(key, 2)
    # all token ids < 100000 so the SenEmbedding_dict branch is never taken
    src = jax.random.randint(k1, (L, B), 0, VOCAB)
    # SenEmbedding_dict is unused when all tokens < 100000; pass a dummy tensor
    SenEmbedding_dict = jnp.zeros((1, EMB), dtype=jnp.float32)
    embedding_weight = jax.random.normal(k2, (VOCAB, EMB), dtype=jnp.float32) * 0.02
    return {"src": src, "SenEmbedding_dict": SenEmbedding_dict, "embedding_weight": embedding_weight}

def reference(src, SenEmbedding_dict, embedding_weight):
    # TokenEmbedding: table lookup scaled by sqrt(emb_size).
    # Since every token id < 100000, the per-element python loop in the
    # original forward reduces to a vectorized embedding gather that is then
    # reshaped to (L, B, emb_size) -- identical math, identical output.
    emb = jnp.take(embedding_weight, src, axis=0) * math.sqrt(EMB)
    return emb.reshape(src.shape[0], src.shape[1], EMB)

if __name__ == "__main__":
    import jax
    _d = setup_inputs()
    print(jax.jit(kernel)(*tuple(_d.values())))

</pallas_src>

<mosaic_0001>
#map = affine_map<(d0, d1) -> (0, 0)>
module attributes {stable_mosaic.version = 14 : i64} {
  func.func @gather_k(%arg0: i32, %arg1: i32, %arg2: memref<100000x64xf32, #tpu.memory_space<hbm>>, %arg3: memref<200x1024xi32, #tpu.memory_space<hbm>>, %arg4: memref<102400x128xf32, #tpu.memory_space<hbm>>, %arg5: memref<25x256xi32, #tpu.memory_space<vmem>>, %arg6: memref<256x64xf32, #tpu.memory_space<vmem>>, %arg7: memref<256x64xf32, #tpu.memory_space<vmem>>, %arg8: memref<!tpu.dma_semaphore, #tpu.memory_space<semaphore_mem>>, %arg9: memref<!tpu.dma_semaphore, #tpu.memory_space<semaphore_mem>>, %arg10: memref<!tpu.dma_semaphore, #tpu.memory_space<semaphore_mem>>, %arg11: memref<!tpu.dma_semaphore, #tpu.memory_space<semaphore_mem>>) attributes {dimension_semantics = [#tpu.dimension_semantics<core_parallel>, #tpu.dimension_semantics<subcore_parallel>], iteration_bounds = array<i64: 2, 16>, scalar_prefetch = 0 : i64, scratch_operands = 7 : i64, tpu.core_type = #tpu.core_type<sc_vector_subcore>, window_params = [{transform_indices = #map}, {transform_indices = #map}, {transform_indices = #map}]} {
    %mul3A = arith.constant 2 : i32
    %mul3A_0 = arith.muli %arg1, %mul3A : i32
    %add3A = arith.addi %mul3A_0, %arg0 : i32
    %jit3A = arith.constant 4 : i32
    %div3A = arith.divsi %add3A, %jit3A : i32
    %sign3A = arith.constant 0 : i32
    %sign3A_1 = arith.cmpi sgt, %add3A, %sign3A : i32
    %sign3A_2 = arith.extui %sign3A_1 : i1 to i32
    %sign3A_3 = arith.constant 0 : i32
    %sign3A_4 = arith.cmpi slt, %add3A, %sign3A_3 : i32
    %sign3A_5 = arith.extui %sign3A_4 : i1 to i32
    %sign3A_6 = arith.subi %sign3A_2, %sign3A_5 : i32
    %sign3A_7 = arith.constant 0 : i32
    %sign3A_8 = arith.cmpi sgt, %jit3A, %sign3A_7 : i32
    %sign3A_9 = arith.extui %sign3A_8 : i1 to i32
    %sign3A_10 = arith.constant 0 : i32
    %sign3A_11 = arith.cmpi slt, %jit3A, %sign3A_10 : i32
    %sign3A_12 = arith.extui %sign3A_11 : i1 to i32
    %sign3A_13 = arith.subi %sign3A_9, %sign3A_12 : i32
    %ne3A = arith.cmpi ne, %sign3A_6, %sign3A_13 : i32
    %rem3A = arith.remsi %add3A, %jit3A : i32
    %ne3A_14 = arith.constant 0 : i32
    %ne3A_15 = arith.cmpi ne, %rem3A, %ne3A_14 : i32
    %and3A = arith.andi %ne3A, %ne3A_15 : i1
    %sub3A = arith.constant 1 : i32
    %sub3A_16 = arith.subi %div3A, %sub3A : i32
    %select_n3A = arith.select %and3A, %sub3A_16, %div3A : i32
    %mul3A_17 = arith.constant 25 : i32
    %mul3A_18 = arith.muli %select_n3A, %mul3A_17 : i32
    %jit3A_19 = arith.constant 4 : i32
    %eq3A = arith.constant 0 : i32
    %eq3A_20 = arith.cmpi eq, %jit3A_19, %eq3A : i32
    %jit3A_21 = arith.constant 1 : i32
    %select_n3A_22 = arith.select %eq3A_20, %jit3A_21, %jit3A_19 : i32
    %rem3A_23 = arith.remsi %add3A, %select_n3A_22 : i32
    %ne3A_24 = arith.constant 0 : i32
    %ne3A_25 = arith.cmpi ne, %rem3A_23, %ne3A_24 : i32
    %lt3A = arith.constant 0 : i32
    %lt3A_26 = arith.cmpi slt, %rem3A_23, %lt3A : i32
    %lt3A_27 = arith.constant 0 : i32
    %lt3A_28 = arith.cmpi slt, %select_n3A_22, %lt3A_27 : i32
    %ne3A_29 = arith.xori %lt3A_26, %lt3A_28 : i1
    %and3A_30 = arith.andi %ne3A_29, %ne3A_25 : i1
    %add3A_31 = arith.addi %rem3A_23, %select_n3A_22 : i32
    %select_n3A_32 = arith.select %and3A_30, %add3A_31, %rem3A_23 : i32
    %mul3A_33 = arith.constant 256 : i32
    %mul3A_34 = arith.muli %select_n3A_32, %mul3A_33 : i32
    "tpu.region"() ({
      %run_scoped3A = tpu.sem_alloc : memref<!tpu.dma_semaphore, #tpu.memory_space<semaphore_mem>>
      %dma_start3A_860 = tpu.memref_slice %arg3[%mul3A_18, %mul3A_34] : memref<200x1024xi32, #tpu.memory_space<hbm>> -> memref<25x256xi32, #tpu.memory_space<hbm>>
      %dma_start3A_861 = tpu.memref_slice %arg3[%mul3A_18, %mul3A_34] : memref<200x1024xi32, #tpu.memory_space<hbm>> -> memref<25x256xi32, #tpu.memory_space<hbm>>
      tpu.enqueue_dma source(%dma_start3A_861 : memref<25x256xi32, #tpu.memory_space<hbm>>) target(%arg5 : memref<25x256xi32, #tpu.memory_space<vmem>>) target_semaphore(%run_scoped3A : memref<!tpu.dma_semaphore, #tpu.memory_space<semaphore_mem>>)
      %dma_wait3A_862 = tpu.memref_slice %arg3[%mul3A_18, %mul3A_34] : memref<200x1024xi32, #tpu.memory_space<hbm>> -> memref<25x256xi32, #tpu.memory_space<hbm>>
      %dma_wait3A_863 = tpu.memref_slice %arg3[%mul3A_18, %mul3A_34] : memref<200x1024xi32, #tpu.memory_space<hbm>> -> memref<25x256xi32, #tpu.memory_space<hbm>>
      tpu.wait_dma2 semaphore(%run_scoped3A : memref<!tpu.dma_semaphore, #tpu.memory_space<semaphore_mem>>) src(%dma_wait3A_863 : memref<25x256xi32, #tpu.memory_space<hbm>>) dst(%arg5 : memref<25x256xi32, #tpu.memory_space<vmem>>)
      tpu.yield
    }) : () -> ()
    %jit3A_35 = arith.constant 512 : i32
    %div3A_36 = arith.divsi %mul3A_34, %jit3A_35 : i32
    %sign3A_37 = arith.constant 0 : i32
    %sign3A_38 = arith.cmpi sgt, %mul3A_34, %sign3A_37 : i32
    %sign3A_39 = arith.extui %sign3A_38 : i1 to i32
    %sign3A_40 = arith.constant 0 : i32
    %sign3A_41 = arith.cmpi slt, %mul3A_34, %sign3A_40 : i32
    %sign3A_42 = arith.extui %sign3A_41 : i1 to i32
    %sign3A_43 = arith.subi %sign3A_39, %sign3A_42 : i32
    %sign3A_44 = arith.constant 0 : i32
    %sign3A_45 = arith.cmpi sgt, %jit3A_35, %sign3A_44 : i32
    %sign3A_46 = arith.extui %sign3A_45 : i1 to i32
    %sign3A_47 = arith.constant 0 : i32
    %sign3A_48 = arith.cmpi slt, %jit3A_35, %sign3A_47 : i32
    %sign3A_49 = arith.extui %sign3A_48 : i1 to i32
    %sign3A_50 = arith.subi %sign3A_46, %sign3A_49 : i32
    %ne3A_51 = arith.cmpi ne, %sign3A_43, %sign3A_50 : i32
    %rem3A_52 = arith.remsi %mul3A_34, %jit3A_35 : i32
    %ne3A_53 = arith.constant 0 : i32
    %ne3A_54 = arith.cmpi ne, %rem3A_52, %ne3A_53 : i32
    %and3A_55 = arith.andi %ne3A_51, %ne3A_54 : i1
    %sub3A_56 = arith.constant 1 : i32
    %sub3A_57 = arith.subi %div3A_36, %sub3A_56 : i32
    %select_n3A_58 = arith.select %and3A_55, %sub3A_57, %div3A_36 : i32
    %mul3A_59 = arith.constant 512 : i32
    %mul3A_60 = arith.muli %select_n3A_58, %mul3A_59 : i32
    %sub3A_61 = arith.subi %mul3A_34, %mul3A_60 : i32
    %dma_start3A = arith.constant 0 : i32
    %dma_start3A_62 = arith.constant 0 : i32
    %dma_start3A_63 = tpu.memref_slice %arg5[%dma_start3A, %dma_start3A_62] : memref<25x256xi32, #tpu.memory_space<vmem>> -> memref<1x256xi32, #tpu.memory_space<vmem>>
    %dma_start3A_64 = tpu.memref_squeeze %dma_start3A_63 : memref<1x256xi32, #tpu.memory_space<vmem>> -> memref<256xi32, #tpu.memory_space<vmem>>
    %dma_start3A_65 = arith.constant 0 : i32
    %dma_start3A_66 = arith.constant 0 : i32
    %dma_start3A_67 = tpu.memref_slice %arg2[%dma_start3A_65, %dma_start3A_66] : memref<100000x64xf32, #tpu.memory_space<hbm>> -> memref<100000x64xf32, #tpu.memory_space<hbm>>
    tpu.enqueue_indirect_dma source(%dma_start3A_67 : memref<100000x64xf32, #tpu.memory_space<hbm>>) target(%arg6 : memref<256x64xf32, #tpu.memory_space<vmem>>) offsets(%dma_start3A_64 : memref<256xi32, #tpu.memory_space<vmem>>) semaphore(%arg8 : memref<!tpu.dma_semaphore, #tpu.memory_space<semaphore_mem>>)
    %dma_start3A_68 = arith.constant 1 : i32
    %dma_start3A_69 = arith.constant 0 : i32
    %dma_start3A_70 = tpu.memref_slice %arg5[%dma_start3A_68, %dma_start3A_69] : memref<25x256xi32, #tpu.memory_space<vmem>> -> memref<1x256xi32, #tpu.memory_space<vmem>>
    %dma_start3A_71 = tpu.memref_squeeze %dma_start3A_70 : memref<1x256xi32, #tpu.memory_space<vmem>> -> memref<256xi32, #tpu.memory_space<vmem>>
    %dma_start3A_72 = arith.constant 0 : i32
    %dma_start3A_73 = arith.constant 0 : i32
    %dma_start3A_74 = tpu.memref_slice %arg2[%dma_start3A_72, %dma_start3A_73] : memref<100000x64xf32, #tpu.memory_space<hbm>> -> memref<100000x64xf32, #tpu.memory_space<hbm>>
    tpu.enqueue_indirect_dma source(%dma_start3A_74 : memref<100000x64xf32, #tpu.memory_space<hbm>>) target(%arg7 : memref<256x64xf32, #tpu.memory_space<vmem>>) offsets(%dma_start3A_71 : memref<256xi32, #tpu.memory_space<vmem>>) semaphore(%arg9 : memref<!tpu.dma_semaphore, #tpu.memory_space<semaphore_mem>>)
    %dma_wait3A = arith.constant 0 : i32
    %dma_wait3A_75 = arith.constant 0 : i32
    %dma_wait3A_76 = tpu.memref_slice %arg5[%dma_wait3A, %dma_wait3A_75] : memref<25x256xi32, #tpu.memory_space<vmem>> -> memref<1x256xi32, #tpu.memory_space<vmem>>
    %dma_wait3A_77 = tpu.memref_squeeze %dma_wait3A_76 : memref<1x256xi32, #tpu.memory_space<vmem>> -> memref<256xi32, #tpu.memory_space<vmem>>
    %dma_wait3A_78 = arith.constant 0 : i32
    %dma_wait3A_79 = arith.constant 0 : i32
    %dma_wait3A_80 = tpu.memref_slice %arg2[%dma_wait3A_78, %dma_wait3A_79] : memref<100000x64xf32, #tpu.memory_space<hbm>> -> memref<100000x64xf32, #tpu.memory_space<hbm>>
    tpu.wait_indirect_dma semaphore(%arg8 : memref<!tpu.dma_semaphore, #tpu.memory_space<semaphore_mem>>) src(%dma_wait3A_80 : memref<100000x64xf32, #tpu.memory_space<hbm>>) dst(%arg6 : memref<256x64xf32, #tpu.memory_space<vmem>>)
    %add3A_81 = arith.constant 0 : i32
    %add3A_82 = arith.addi %mul3A_18, %add3A_81 : i32
    %mul3A_83 = arith.constant 512 : i32
    %mul3A_84 = arith.muli %add3A_82, %mul3A_83 : i32
    %add3A_85 = arith.addi %mul3A_84, %sub3A_61 : i32
    %mul3A_86 = arith.constant 64 : i32
    %mul3A_87 = arith.muli %select_n3A_58, %mul3A_86 : i32
    %dma_start3A_88 = tpu.memref_slice %arg4[%add3A_85, %mul3A_87] : memref<102400x128xf32, #tpu.memory_space<hbm>> -> memref<256x64xf32, #tpu.memory_space<hbm>>
    %dma_start3A_89 = tpu.memref_slice %arg4[%add3A_85, %mul3A_87] : memref<102400x128xf32, #tpu.memory_space<hbm>> -> memref<256x64xf32, #tpu.memory_space<hbm>>
    tpu.enqueue_dma source(%arg6 : memref<256x64xf32, #tpu.memory_space<vmem>>) target(%dma_start3A_89 : memref<256x64xf32, #tpu.memory_space<hbm>>) target_semaphore(%arg10 : memref<!tpu.dma_semaphore, #tpu.memory_space<semaphore_mem>>)
    %add3A_90 = arith.constant 0 : i32
    %add3A_91 = arith.addi %mul3A_18, %add3A_90 : i32
    %mul3A_92 = arith.constant 512 : i32
    %mul3A_93 = arith.muli %add3A_91, %mul3A_92 : i32
    %add3A_94 = arith.addi %mul3A_93, %sub3A_61 : i32
    %mul3A_95 = arith.constant 64 : i32
    %mul3A_96 = arith.muli %select_n3A_58, %mul3A_95 : i32
    %dma_wait3A_97 = tpu.memref_slice %arg4[%add3A_94, %mul3A_96] : memref<102400x128xf32, #tpu.memory_space<hbm>> -> memref<256x64xf32, #tpu.memory_space<hbm>>
    %dma_wait3A_98 = tpu.memref_slice %arg4[%add3A_94, %mul3A_96] : memref<102400x128xf32, #tpu.memory_space<hbm>> -> memref<256x64xf32, #tpu.memory_space<hbm>>
    tpu.wait_dma2 semaphore(%arg10 : memref<!tpu.dma_semaphore, #tpu.memory_space<semaphore_mem>>) src(%arg6 : memref<256x64xf32, #tpu.memory_space<vmem>>) dst(%dma_wait3A_98 : memref<256x64xf32, #tpu.memory_space<hbm>>)
    %dma_start3A_99 = arith.constant 2 : i32
    %dma_start3A_100 = arith.constant 0 : i32
    %dma_start3A_101 = tpu.memref_slice %arg5[%dma_start3A_99, %dma_start3A_100] : memref<25x256xi32, #tpu.memory_space<vmem>> -> memref<1x256xi32, #tpu.memory_space<vmem>>
    %dma_start3A_102 = tpu.memref_squeeze %dma_start3A_101 : memref<1x256xi32, #tpu.memory_space<vmem>> -> memref<256xi32, #tpu.memory_space<vmem>>
    %dma_start3A_103 = arith.constant 0 : i32
    %dma_start3A_104 = arith.constant 0 : i32
    %dma_start3A_105 = tpu.memref_slice %arg2[%dma_start3A_103, %dma_start3A_104] : memref<100000x64xf32, #tpu.memory_space<hbm>> -> memref<100000x64xf32, #tpu.memory_space<hbm>>
    tpu.enqueue_indirect_dma source(%dma_start3A_105 : memref<100000x64xf32, #tpu.memory_space<hbm>>) target(%arg6 : memref<256x64xf32, #tpu.memory_space<vmem>>) offsets(%dma_start3A_102 : memref<256xi32, #tpu.memory_space<vmem>>) semaphore(%arg8 : memref<!tpu.dma_semaphore, #tpu.memory_space<semaphore_mem>>)
    %dma_wait3A_106 = arith.constant 1 : i32
    %dma_wait3A_107 = arith.constant 0 : i32
    %dma_wait3A_108 = tpu.memref_slice %arg5[%dma_wait3A_106, %dma_wait3A_107] : memref<25x256xi32, #tpu.memory_space<vmem>> -> memref<1x256xi32, #tpu.memory_space<vmem>>
    %dma_wait3A_109 = tpu.memref_squeeze %dma_wait3A_108 : memref<1x256xi32, #tpu.memory_space<vmem>> -> memref<256xi32, #tpu.memory_space<vmem>>
    %dma_wait3A_110 = arith.constant 0 : i32
    %dma_wait3A_111 = arith.constant 0 : i32
    %dma_wait3A_112 = tpu.memref_slice %arg2[%dma_wait3A_110, %dma_wait3A_111] : memref<100000x64xf32, #tpu.memory_space<hbm>> -> memref<100000x64xf32, #tpu.memory_space<hbm>>
    tpu.wait_indirect_dma semaphore(%arg9 : memref<!tpu.dma_semaphore, #tpu.memory_space<semaphore_mem>>) src(%dma_wait3A_112 : memref<100000x64xf32, #tpu.memory_space<hbm>>) dst(%arg7 : memref<256x64xf32, #tpu.memory_space<vmem>>)
    %add3A_113 = arith.constant 1 : i32
    %add3A_114 = arith.addi %mul3A_18, %add3A_113 : i32
    %mul3A_115 = arith.constant 512 : i32
    %mul3A_116 = arith.muli %add3A_114, %mul3A_115 : i32
    %add3A_117 = arith.addi %mul3A_116, %sub3A_61 : i32
    %mul3A_118 = arith.constant 64 : i32
    %mul3A_119 = arith.muli %select_n3A_58, %mul3A_118 : i32
    %dma_start3A_120 = tpu.memref_slice %arg4[%add3A_117, %mul3A_119] : memref<102400x128xf32, #tpu.memory_space<hbm>> -> memref<256x64xf32, #tpu.memory_space<hbm>>
    %dma_start3A_121 = tpu.memref_slice %arg4[%add3A_117, %mul3A_119] : memref<102400x128xf32, #tpu.memory_space<hbm>> -> memref<256x64xf32, #tpu.memory_space<hbm>>
    tpu.enqueue_dma source(%arg7 : memref<256x64xf32, #tpu.memory_space<vmem>>) target(%dma_start3A_121 : memref<256x64xf32, #tpu.memory_space<hbm>>) target_semaphore(%arg11 : memref<!tpu.dma_semaphore, #tpu.memory_space<semaphore_mem>>)
    %add3A_122 = arith.constant 1 : i32
    %add3A_123 = arith.addi %mul3A_18, %add3A_122 : i32
    %mul3A_124 = arith.constant 512 : i32
    %mul3A_125 = arith.muli %add3A_123, %mul3A_124 : i32
    %add3A_126 = arith.addi %mul3A_125, %sub3A_61 : i32
    %mul3A_127 = arith.constant 64 : i32
    %mul3A_128 = arith.muli %select_n3A_58, %mul3A_127 : i32
    %dma_wait3A_129 = tpu.memref_slice %arg4[%add3A_126, %mul3A_128] : memref<102400x128xf32, #tpu.memory_space<hbm>> -> memref<256x64xf32, #tpu.memory_space<hbm>>
    %dma_wait3A_130 = tpu.memref_slice %arg4[%add3A_126, %mul3A_128] : memref<102400x128xf32, #tpu.memory_space<hbm>> -> memref<256x64xf32, #tpu.memory_space<hbm>>
    tpu.wait_dma2 semaphore(%arg11 : memref<!tpu.dma_semaphore, #tpu.memory_space<semaphore_mem>>) src(%arg7 : memref<256x64xf32, #tpu.memory_space<vmem>>) dst(%dma_wait3A_130 : memref<256x64xf32, #tpu.memory_space<hbm>>)
    %dma_start3A_131 = arith.constant 3 : i32
    %dma_start3A_132 = arith.constant 0 : i32
    %dma_start3A_133 = tpu.memref_slice %arg5[%dma_start3A_131, %dma_start3A_132] : memref<25x256xi32, #tpu.memory_space<vmem>> -> memref<1x256xi32, #tpu.memory_space<vmem>>
    %dma_start3A_134 = tpu.memref_squeeze %dma_start3A_133 : memref<1x256xi32, #tpu.memory_space<vmem>> -> memref<256xi32, #tpu.memory_space<vmem>>
    %dma_start3A_135 = arith.constant 0 : i32
    %dma_start3A_136 = arith.constant 0 : i32
    %dma_start3A_137 = tpu.memref_slice %arg2[%dma_start3A_135, %dma_start3A_136] : memref<100000x64xf32, #tpu.memory_space<hbm>> -> memref<100000x64xf32, #tpu.memory_space<hbm>>
    tpu.enqueue_indirect_dma source(%dma_start3A_137 : memref<100000x64xf32, #tpu.memory_space<hbm>>) target(%arg7 : memref<256x64xf32, #tpu.memory_space<vmem>>) offsets(%dma_start3A_134 : memref<256xi32, #tpu.memory_space<vmem>>) semaphore(%arg9 : memref<!tpu.dma_semaphore, #tpu.memory_space<semaphore_mem>>)
    %dma_wait3A_138 = arith.constant 2 : i32
    %dma_wait3A_139 = arith.constant 0 : i32
    %dma_wait3A_140 = tpu.memref_slice %arg5[%dma_wait3A_138, %dma_wait3A_139] : memref<25x256xi32, #tpu.memory_space<vmem>> -> memref<1x256xi32, #tpu.memory_space<vmem>>
    %dma_wait3A_141 = tpu.memref_squeeze %dma_wait3A_140 : memref<1x256xi32, #tpu.memory_space<vmem>> -> memref<256xi32, #tpu.memory_space<vmem>>
    %dma_wait3A_142 = arith.constant 0 : i32
    %dma_wait3A_143 = arith.constant 0 : i32
    %dma_wait3A_144 = tpu.memref_slice %arg2[%dma_wait3A_142, %dma_wait3A_143] : memref<100000x64xf32, #tpu.memory_space<hbm>> -> memref<100000x64xf32, #tpu.memory_space<hbm>>
    tpu.wait_indirect_dma semaphore(%arg8 : memref<!tpu.dma_semaphore, #tpu.memory_space<semaphore_mem>>) src(%dma_wait3A_144 : memref<100000x64xf32, #tpu.memory_space<hbm>>) dst(%arg6 : memref<256x64xf32, #tpu.memory_space<vmem>>)
    %add3A_145 = arith.constant 2 : i32
    %add3A_146 = arith.addi %mul3A_18, %add3A_145 : i32
    %mul3A_147 = arith.constant 512 : i32
    %mul3A_148 = arith.muli %add3A_146, %mul3A_147 : i32
    %add3A_149 = arith.addi %mul3A_148, %sub3A_61 : i32
    %mul3A_150 = arith.constant 64 : i32
    %mul3A_151 = arith.muli %select_n3A_58, %mul3A_150 : i32
    %dma_start3A_152 = tpu.memref_slice %arg4[%add3A_149, %mul3A_151] : memref<102400x128xf32, #tpu.memory_space<hbm>> -> memref<256x64xf32, #tpu.memory_space<hbm>>
    %dma_start3A_153 = tpu.memref_slice %arg4[%add3A_149, %mul3A_151] : memref<102400x128xf32, #tpu.memory_space<hbm>> -> memref<256x64xf32, #tpu.memory_space<hbm>>
    tpu.enqueue_dma source(%arg6 : memref<256x64xf32, #tpu.memory_space<vmem>>) target(%dma_start3A_153 : memref<256x64xf32, #tpu.memory_space<hbm>>) target_semaphore(%arg10 : memref<!tpu.dma_semaphore, #tpu.memory_space<semaphore_mem>>)
    %add3A_154 = arith.constant 2 : i32
    %add3A_155 = arith.addi %mul3A_18, %add3A_154 : i32
    %mul3A_156 = arith.constant 512 : i32
    %mul3A_157 = arith.muli %add3A_155, %mul3A_156 : i32
    %add3A_158 = arith.addi %mul3A_157, %sub3A_61 : i32
    %mul3A_159 = arith.constant 64 : i32
    %mul3A_160 = arith.muli %select_n3A_58, %mul3A_159 : i32
    %dma_wait3A_161 = tpu.memref_slice %arg4[%add3A_158, %mul3A_160] : memref<102400x128xf32, #tpu.memory_space<hbm>> -> memref<256x64xf32, #tpu.memory_space<hbm>>
    %dma_wait3A_162 = tpu.memref_slice %arg4[%add3A_158, %mul3A_160] : memref<102400x128xf32, #tpu.memory_space<hbm>> -> memref<256x64xf32, #tpu.memory_space<hbm>>
    tpu.wait_dma2 semaphore(%arg10 : memref<!tpu.dma_semaphore, #tpu.memory_space<semaphore_mem>>) src(%arg6 : memref<256x64xf32, #tpu.memory_space<vmem>>) dst(%dma_wait3A_162 : memref<256x64xf32, #tpu.memory_space<hbm>>)
    %dma_start3A_163 = arith.constant 4 : i32
    %dma_start3A_164 = arith.constant 0 : i32
    %dma_start3A_165 = tpu.memref_slice %arg5[%dma_start3A_163, %dma_start3A_164] : memref<25x256xi32, #tpu.memory_space<vmem>> -> memref<1x256xi32, #tpu.memory_space<vmem>>
    %dma_start3A_166 = tpu.memref_squeeze %dma_start3A_165 : memref<1x256xi32, #tpu.memory_space<vmem>> -> memref<256xi32, #tpu.memory_space<vmem>>
    %dma_start3A_167 = arith.constant 0 : i32
    %dma_start3A_168 = arith.constant 0 : i32
    %dma_start3A_169 = tpu.memref_slice %arg2[%dma_start3A_167, %dma_start3A_168] : memref<100000x64xf32, #tpu.memory_space<hbm>> -> memref<100000x64xf32, #tpu.memory_space<hbm>>
    tpu.enqueue_indirect_dma source(%dma_start3A_169 : memref<100000x64xf32, #tpu.memory_space<hbm>>) target(%arg6 : memref<256x64xf32, #tpu.memory_space<vmem>>) offsets(%dma_start3A_166 : memref<256xi32, #tpu.memory_space<vmem>>) semaphore(%arg8 : memref<!tpu.dma_semaphore, #tpu.memory_space<semaphore_mem>>)
    %dma_wait3A_170 = arith.constant 3 : i32
    %dma_wait3A_171 = arith.constant 0 : i32
    %dma_wait3A_172 = tpu.memref_slice %arg5[%dma_wait3A_170, %dma_wait3A_171] : memref<25x256xi32, #tpu.memory_space<vmem>> -> memref<1x256xi32, #tpu.memory_space<vmem>>
    %dma_wait3A_173 = tpu.memref_squeeze %dma_wait3A_172 : memref<1x256xi32, #tpu.memory_space<vmem>> -> memref<256xi32, #tpu.memory_space<vmem>>
    %dma_wait3A_174 = arith.constant 0 : i32
    %dma_wait3A_175 = arith.constant 0 : i32
    %dma_wait3A_176 = tpu.memref_slice %arg2[%dma_wait3A_174, %dma_wait3A_175] : memref<100000x64xf32, #tpu.memory_space<hbm>> -> memref<100000x64xf32, #tpu.memory_space<hbm>>
    tpu.wait_indirect_dma semaphore(%arg9 : memref<!tpu.dma_semaphore, #tpu.memory_space<semaphore_mem>>) src(%dma_wait3A_176 : memref<100000x64xf32, #tpu.memory_space<hbm>>) dst(%arg7 : memref<256x64xf32, #tpu.memory_space<vmem>>)
    %add3A_177 = arith.constant 3 : i32
    %add3A_178 = arith.addi %mul3A_18, %add3A_177 : i32
    %mul3A_179 = arith.constant 512 : i32
    %mul3A_180 = arith.muli %add3A_178, %mul3A_179 : i32
    %add3A_181 = arith.addi %mul3A_180, %sub3A_61 : i32
    %mul3A_182 = arith.constant 64 : i32
    %mul3A_183 = arith.muli %select_n3A_58, %mul3A_182 : i32
    %dma_start3A_184 = tpu.memref_slice %arg4[%add3A_181, %mul3A_183] : memref<102400x128xf32, #tpu.memory_space<hbm>> -> memref<256x64xf32, #tpu.memory_space<hbm>>
    %dma_start3A_185 = tpu.memref_slice %arg4[%add3A_181, %mul3A_183] : memref<102400x128xf32, #tpu.memory_space<hbm>> -> memref<256x64xf32, #tpu.memory_space<hbm>>
    tpu.enqueue_dma source(%arg7 : memref<256x64xf32, #tpu.memory_space<vmem>>) target(%dma_start3A_185 : memref<256x64xf32, #tpu.memory_space<hbm>>) target_semaphore(%arg11 : memref<!tpu.dma_semaphore, #tpu.memory_space<semaphore_mem>>)
    %add3A_186 = arith.constant 3 : i32
    %add3A_187 = arith.addi %mul3A_18, %add3A_186 : i32
    %mul3A_188 = arith.constant 512 : i32
    %mul3A_189 = arith.muli %add3A_187, %mul3A_188 : i32
    %add3A_190 = arith.addi %mul3A_189, %sub3A_61 : i32
    %mul3A_191 = arith.constant 64 : i32
    %mul3A_192 = arith.muli %select_n3A_58, %mul3A_191 : i32
    %dma_wait3A_193 = tpu.memref_slice %arg4[%add3A_190, %mul3A_192] : memref<102400x128xf32, #tpu.memory_space<hbm>> -> memref<256x64xf32, #tpu.memory_space<hbm>>
    %dma_wait3A_194 = tpu.memref_slice %arg4[%add3A_190, %mul3A_192] : memref<102400x128xf32, #tpu.memory_space<hbm>> -> memref<256x64xf32, #tpu.memory_space<hbm>>
    tpu.wait_dma2 semaphore(%arg11 : memref<!tpu.dma_semaphore, #tpu.memory_space<semaphore_mem>>) src(%arg7 : memref<256x64xf32, #tpu.memory_space<vmem>>) dst(%dma_wait3A_194 : memref<256x64xf32, #tpu.memory_space<hbm>>)
    %dma_start3A_195 = arith.constant 5 : i32
    %dma_start3A_196 = arith.constant 0 : i32
    %dma_start3A_197 = tpu.memref_slice %arg5[%dma_start3A_195, %dma_start3A_196] : memref<25x256xi32, #tpu.memory_space<vmem>> -> memref<1x256xi32, #tpu.memory_space<vmem>>
    %dma_start3A_198 = tpu.memref_squeeze %dma_start3A_197 : memref<1x256xi32, #tpu.memory_space<vmem>> -> memref<256xi32, #tpu.memory_space<vmem>>
    %dma_start3A_199 = arith.constant 0 : i32
    %dma_start3A_200 = arith.constant 0 : i32
    %dma_start3A_201 = tpu.memref_slice %arg2[%dma_start3A_199, %dma_start3A_200] : memref<100000x64xf32, #tpu.memory_space<hbm>> -> memref<100000x64xf32, #tpu.memory_space<hbm>>
    tpu.enqueue_indirect_dma source(%dma_start3A_201 : memref<100000x64xf32, #tpu.memory_space<hbm>>) target(%arg7 : memref<256x64xf32, #tpu.memory_space<vmem>>) offsets(%dma_start3A_198 : memref<256xi32, #tpu.memory_space<vmem>>) semaphore(%arg9 : memref<!tpu.dma_semaphore, #tpu.memory_space<semaphore_mem>>)
    %dma_wait3A_202 = arith.constant 4 : i32
    %dma_wait3A_203 = arith.constant 0 : i32
    %dma_wait3A_204 = tpu.memref_slice %arg5[%dma_wait3A_202, %dma_wait3A_203] : memref<25x256xi32, #tpu.memory_space<vmem>> -> memref<1x256xi32, #tpu.memory_space<vmem>>
    %dma_wait3A_205 = tpu.memref_squeeze %dma_wait3A_204 : memref<1x256xi32, #tpu.memory_space<vmem>> -> memref<256xi32, #tpu.memory_space<vmem>>
    %dma_wait3A_206 = arith.constant 0 : i32
    %dma_wait3A_207 = arith.constant 0 : i32
    %dma_wait3A_208 = tpu.memref_slice %arg2[%dma_wait3A_206, %dma_wait3A_207] : memref<100000x64xf32, #tpu.memory_space<hbm>> -> memref<100000x64xf32, #tpu.memory_space<hbm>>
    tpu.wait_indirect_dma semaphore(%arg8 : memref<!tpu.dma_semaphore, #tpu.memory_space<semaphore_mem>>) src(%dma_wait3A_208 : memref<100000x64xf32, #tpu.memory_space<hbm>>) dst(%arg6 : memref<256x64xf32, #tpu.memory_space<vmem>>)
    %add3A_209 = arith.constant 4 : i32
    %add3A_210 = arith.addi %mul3A_18, %add3A_209 : i32
    %mul3A_211 = arith.constant 512 : i32
    %mul3A_212 = arith.muli %add3A_210, %mul3A_211 : i32
    %add3A_213 = arith.addi %mul3A_212, %sub3A_61 : i32
    %mul3A_214 = arith.constant 64 : i32
    %mul3A_215 = arith.muli %select_n3A_58, %mul3A_214 : i32
    %dma_start3A_216 = tpu.memref_slice %arg4[%add3A_213, %mul3A_215] : memref<102400x128xf32, #tpu.memory_space<hbm>> -> memref<256x64xf32, #tpu.memory_space<hbm>>
    %dma_start3A_217 = tpu.memref_slice %arg4[%add3A_213, %mul3A_215] : memref<102400x128xf32, #tpu.memory_space<hbm>> -> memref<256x64xf32, #tpu.memory_space<hbm>>
    tpu.enqueue_dma source(%arg6 : memref<256x64xf32, #tpu.memory_space<vmem>>) target(%dma_start3A_217 : memref<256x64xf32, #tpu.memory_space<hbm>>) target_semaphore(%arg10 : memref<!tpu.dma_semaphore, #tpu.memory_space<semaphore_mem>>)
    %add3A_218 = arith.constant 4 : i32
    %add3A_219 = arith.addi %mul3A_18, %add3A_218 : i32
    %mul3A_220 = arith.constant 512 : i32
    %mul3A_221 = arith.muli %add3A_219, %mul3A_220 : i32
    %add3A_222 = arith.addi %mul3A_221, %sub3A_61 : i32
    %mul3A_223 = arith.constant 64 : i32
    %mul3A_224 = arith.muli %select_n3A_58, %mul3A_223 : i32
    %dma_wait3A_225 = tpu.memref_slice %arg4[%add3A_222, %mul3A_224] : memref<102400x128xf32, #tpu.memory_space<hbm>> -> memref<256x64xf32, #tpu.memory_space<hbm>>
    %dma_wait3A_226 = tpu.memref_slice %arg4[%add3A_222, %mul3A_224] : memref<102400x128xf32, #tpu.memory_space<hbm>> -> memref<256x64xf32, #tpu.memory_space<hbm>>
    tpu.wait_dma2 semaphore(%arg10 : memref<!tpu.dma_semaphore, #tpu.memory_space<semaphore_mem>>) src(%arg6 : memref<256x64xf32, #tpu.memory_space<vmem>>) dst(%dma_wait3A_226 : memref<256x64xf32, #tpu.memory_space<hbm>>)
    %dma_start3A_227 = arith.constant 6 : i32
    %dma_start3A_228 = arith.constant 0 : i32
    %dma_start3A_229 = tpu.memref_slice %arg5[%dma_start3A_227, %dma_start3A_228] : memref<25x256xi32, #tpu.memory_space<vmem>> -> memref<1x256xi32, #tpu.memory_space<vmem>>
    %dma_start3A_230 = tpu.memref_squeeze %dma_start3A_229 : memref<1x256xi32, #tpu.memory_space<vmem>> -> memref<256xi32, #tpu.memory_space<vmem>>
    %dma_start3A_231 = arith.constant 0 : i32
    %dma_start3A_232 = arith.constant 0 : i32
    %dma_start3A_233 = tpu.memref_slice %arg2[%dma_start3A_231, %dma_start3A_232] : memref<100000x64xf32, #tpu.memory_space<hbm>> -> memref<100000x64xf32, #tpu.memory_space<hbm>>
    tpu.enqueue_indirect_dma source(%dma_start3A_233 : memref<100000x64xf32, #tpu.memory_space<hbm>>) target(%arg6 : memref<256x64xf32, #tpu.memory_space<vmem>>) offsets(%dma_start3A_230 : memref<256xi32, #tpu.memory_space<vmem>>) semaphore(%arg8 : memref<!tpu.dma_semaphore, #tpu.memory_space<semaphore_mem>>)
    %dma_wait3A_234 = arith.constant 5 : i32
    %dma_wait3A_235 = arith.constant 0 : i32
    %dma_wait3A_236 = tpu.memref_slice %arg5[%dma_wait3A_234, %dma_wait3A_235] : memref<25x256xi32, #tpu.memory_space<vmem>> -> memref<1x256xi32, #tpu.memory_space<vmem>>
    %dma_wait3A_237 = tpu.memref_squeeze %dma_wait3A_236 : memref<1x256xi32, #tpu.memory_space<vmem>> -> memref<256xi32, #tpu.memory_space<vmem>>
    %dma_wait3A_238 = arith.constant 0 : i32
    %dma_wait3A_239 = arith.constant 0 : i32
    %dma_wait3A_240 = tpu.memref_slice %arg2[%dma_wait3A_238, %dma_wait3A_239] : memref<100000x64xf32, #tpu.memory_space<hbm>> -> memref<100000x64xf32, #tpu.memory_space<hbm>>
    tpu.wait_indirect_dma semaphore(%arg9 : memref<!tpu.dma_semaphore, #tpu.memory_space<semaphore_mem>>) src(%dma_wait3A_240 : memref<100000x64xf32, #tpu.memory_space<hbm>>) dst(%arg7 : memref<256x64xf32, #tpu.memory_space<vmem>>)
    %add3A_241 = arith.constant 5 : i32
    %add3A_242 = arith.addi %mul3A_18, %add3A_241 : i32
    %mul3A_243 = arith.constant 512 : i32
    %mul3A_244 = arith.muli %add3A_242, %mul3A_243 : i32
    %add3A_245 = arith.addi %mul3A_244, %sub3A_61 : i32
    %mul3A_246 = arith.constant 64 : i32
    %mul3A_247 = arith.muli %select_n3A_58, %mul3A_246 : i32
    %dma_start3A_248 = tpu.memref_slice %arg4[%add3A_245, %mul3A_247] : memref<102400x128xf32, #tpu.memory_space<hbm>> -> memref<256x64xf32, #tpu.memory_space<hbm>>
    %dma_start3A_249 = tpu.memref_slice %arg4[%add3A_245, %mul3A_247] : memref<102400x128xf32, #tpu.memory_space<hbm>> -> memref<256x64xf32, #tpu.memory_space<hbm>>
    tpu.enqueue_dma source(%arg7 : memref<256x64xf32, #tpu.memory_space<vmem>>) target(%dma_start3A_249 : memref<256x64xf32, #tpu.memory_space<hbm>>) target_semaphore(%arg11 : memref<!tpu.dma_semaphore, #tpu.memory_space<semaphore_mem>>)
    %add3A_250 = arith.constant 5 : i32
    %add3A_251 = arith.addi %mul3A_18, %add3A_250 : i32
    %mul3A_252 = arith.constant 512 : i32
    %mul3A_253 = arith.muli %add3A_251, %mul3A_252 : i32
    %add3A_254 = arith.addi %mul3A_253, %sub3A_61 : i32
    %mul3A_255 = arith.constant 64 : i32
    %mul3A_256 = arith.muli %select_n3A_58, %mul3A_255 : i32
    %dma_wait3A_257 = tpu.memref_slice %arg4[%add3A_254, %mul3A_256] : memref<102400x128xf32, #tpu.memory_space<hbm>> -> memref<256x64xf32, #tpu.memory_space<hbm>>
    %dma_wait3A_258 = tpu.memref_slice %arg4[%add3A_254, %mul3A_256] : memref<102400x128xf32, #tpu.memory_space<hbm>> -> memref<256x64xf32, #tpu.memory_space<hbm>>
    tpu.wait_dma2 semaphore(%arg11 : memref<!tpu.dma_semaphore, #tpu.memory_space<semaphore_mem>>) src(%arg7 : memref<256x64xf32, #tpu.memory_space<vmem>>) dst(%dma_wait3A_258 : memref<256x64xf32, #tpu.memory_space<hbm>>)
    %dma_start3A_259 = arith.constant 7 : i32
    %dma_start3A_260 = arith.constant 0 : i32
    %dma_start3A_261 = tpu.memref_slice %arg5[%dma_start3A_259, %dma_start3A_260] : memref<25x256xi32, #tpu.memory_space<vmem>> -> memref<1x256xi32, #tpu.memory_space<vmem>>
    %dma_start3A_262 = tpu.memref_squeeze %dma_start3A_261 : memref<1x256xi32, #tpu.memory_space<vmem>> -> memref<256xi32, #tpu.memory_space<vmem>>
    %dma_start3A_263 = arith.constant 0 : i32
    %dma_start3A_264 = arith.constant 0 : i32
    %dma_start3A_265 = tpu.memref_slice %arg2[%dma_start3A_263, %dma_start3A_264] : memref<100000x64xf32, #tpu.memory_space<hbm>> -> memref<100000x64xf32, #tpu.memory_space<hbm>>
    tpu.enqueue_indirect_dma source(%dma_start3A_265 : memref<100000x64xf32, #tpu.memory_space<hbm>>) target(%arg7 : memref<256x64xf32, #tpu.memory_space<vmem>>) offsets(%dma_start3A_262 : memref<256xi32, #tpu.memory_space<vmem>>) semaphore(%arg9 : memref<!tpu.dma_semaphore, #tpu.memory_space<semaphore_mem>>)
    %dma_wait3A_266 = arith.constant 6 : i32
    %dma_wait3A_267 = arith.constant 0 : i32
    %dma_wait3A_268 = tpu.memref_slice %arg5[%dma_wait3A_266, %dma_wait3A_267] : memref<25x256xi32, #tpu.memory_space<vmem>> -> memref<1x256xi32, #tpu.memory_space<vmem>>
    %dma_wait3A_269 = tpu.memref_squeeze %dma_wait3A_268 : memref<1x256xi32, #tpu.memory_space<vmem>> -> memref<256xi32, #tpu.memory_space<vmem>>
    %dma_wait3A_270 = arith.constant 0 : i32
    %dma_wait3A_271 = arith.constant 0 : i32
    %dma_wait3A_272 = tpu.memref_slice %arg2[%dma_wait3A_270, %dma_wait3A_271] : memref<100000x64xf32, #tpu.memory_space<hbm>> -> memref<100000x64xf32, #tpu.memory_space<hbm>>
    tpu.wait_indirect_dma semaphore(%arg8 : memref<!tpu.dma_semaphore, #tpu.memory_space<semaphore_mem>>) src(%dma_wait3A_272 : memref<100000x64xf32, #tpu.memory_space<hbm>>) dst(%arg6 : memref<256x64xf32, #tpu.memory_space<vmem>>)
    %add3A_273 = arith.constant 6 : i32
    %add3A_274 = arith.addi %mul3A_18, %add3A_273 : i32
    %mul3A_275 = arith.constant 512 : i32
    %mul3A_276 = arith.muli %add3A_274, %mul3A_275 : i32
    %add3A_277 = arith.addi %mul3A_276, %sub3A_61 : i32
    %mul3A_278 = arith.constant 64 : i32
    %mul3A_279 = arith.muli %select_n3A_58, %mul3A_278 : i32
    %dma_start3A_280 = tpu.memref_slice %arg4[%add3A_277, %mul3A_279] : memref<102400x128xf32, #tpu.memory_space<hbm>> -> memref<256x64xf32, #tpu.memory_space<hbm>>
    %dma_start3A_281 = tpu.memref_slice %arg4[%add3A_277, %mul3A_279] : memref<102400x128xf32, #tpu.memory_space<hbm>> -> memref<256x64xf32, #tpu.memory_space<hbm>>
    tpu.enqueue_dma source(%arg6 : memref<256x64xf32, #tpu.memory_space<vmem>>) target(%dma_start3A_281 : memref<256x64xf32, #tpu.memory_space<hbm>>) target_semaphore(%arg10 : memref<!tpu.dma_semaphore, #tpu.memory_space<semaphore_mem>>)
    %add3A_282 = arith.constant 6 : i32
    %add3A_283 = arith.addi %mul3A_18, %add3A_282 : i32
    %mul3A_284 = arith.constant 512 : i32
    %mul3A_285 = arith.muli %add3A_283, %mul3A_284 : i32
    %add3A_286 = arith.addi %mul3A_285, %sub3A_61 : i32
    %mul3A_287 = arith.constant 64 : i32
    %mul3A_288 = arith.muli %select_n3A_58, %mul3A_287 : i32
    %dma_wait3A_289 = tpu.memref_slice %arg4[%add3A_286, %mul3A_288] : memref<102400x128xf32, #tpu.memory_space<hbm>> -> memref<256x64xf32, #tpu.memory_space<hbm>>
    %dma_wait3A_290 = tpu.memref_slice %arg4[%add3A_286, %mul3A_288] : memref<102400x128xf32, #tpu.memory_space<hbm>> -> memref<256x64xf32, #tpu.memory_space<hbm>>
    tpu.wait_dma2 semaphore(%arg10 : memref<!tpu.dma_semaphore, #tpu.memory_space<semaphore_mem>>) src(%arg6 : memref<256x64xf32, #tpu.memory_space<vmem>>) dst(%dma_wait3A_290 : memref<256x64xf32, #tpu.memory_space<hbm>>)
    %dma_start3A_291 = arith.constant 8 : i32
    %dma_start3A_292 = arith.constant 0 : i32
    %dma_start3A_293 = tpu.memref_slice %arg5[%dma_start3A_291, %dma_start3A_292] : memref<25x256xi32, #tpu.memory_space<vmem>> -> memref<1x256xi32, #tpu.memory_space<vmem>>
    %dma_start3A_294 = tpu.memref_squeeze %dma_start3A_293 : memref<1x256xi32, #tpu.memory_space<vmem>> -> memref<256xi32, #tpu.memory_space<vmem>>
    %dma_start3A_295 = arith.constant 0 : i32
    %dma_start3A_296 = arith.constant 0 : i32
    %dma_start3A_297 = tpu.memref_slice %arg2[%dma_start3A_295, %dma_start3A_296] : memref<100000x64xf32, #tpu.memory_space<hbm>> -> memref<100000x64xf32, #tpu.memory_space<hbm>>
    tpu.enqueue_indirect_dma source(%dma_start3A_297 : memref<100000x64xf32, #tpu.memory_space<hbm>>) target(%arg6 : memref<256x64xf32, #tpu.memory_space<vmem>>) offsets(%dma_start3A_294 : memref<256xi32, #tpu.memory_space<vmem>>) semaphore(%arg8 : memref<!tpu.dma_semaphore, #tpu.memory_space<semaphore_mem>>)
    %dma_wait3A_298 = arith.constant 7 : i32
    %dma_wait3A_299 = arith.constant 0 : i32
    %dma_wait3A_300 = tpu.memref_slice %arg5[%dma_wait3A_298, %dma_wait3A_299] : memref<25x256xi32, #tpu.memory_space<vmem>> -> memref<1x256xi32, #tpu.memory_space<vmem>>
    %dma_wait3A_301 = tpu.memref_squeeze %dma_wait3A_300 : memref<1x256xi32, #tpu.memory_space<vmem>> -> memref<256xi32, #tpu.memory_space<vmem>>
    %dma_wait3A_302 = arith.constant 0 : i32
    %dma_wait3A_303 = arith.constant 0 : i32
    %dma_wait3A_304 = tpu.memref_slice %arg2[%dma_wait3A_302, %dma_wait3A_303] : memref<100000x64xf32, #tpu.memory_space<hbm>> -> memref<100000x64xf32, #tpu.memory_space<hbm>>
    tpu.wait_indirect_dma semaphore(%arg9 : memref<!tpu.dma_semaphore, #tpu.memory_space<semaphore_mem>>) src(%dma_wait3A_304 : memref<100000x64xf32, #tpu.memory_space<hbm>>) dst(%arg7 : memref<256x64xf32, #tpu.memory_space<vmem>>)
    %add3A_305 = arith.constant 7 : i32
    %add3A_306 = arith.addi %mul3A_18, %add3A_305 : i32
    %mul3A_307 = arith.constant 512 : i32
    %mul3A_308 = arith.muli %add3A_306, %mul3A_307 : i32
    %add3A_309 = arith.addi %mul3A_308, %sub3A_61 : i32
    %mul3A_310 = arith.constant 64 : i32
    %mul3A_311 = arith.muli %select_n3A_58, %mul3A_310 : i32
    %dma_start3A_312 = tpu.memref_slice %arg4[%add3A_309, %mul3A_311] : memref<102400x128xf32, #tpu.memory_space<hbm>> -> memref<256x64xf32, #tpu.memory_space<hbm>>
    %dma_start3A_313 = tpu.memref_slice %arg4[%add3A_309, %mul3A_311] : memref<102400x128xf32, #tpu.memory_space<hbm>> -> memref<256x64xf32, #tpu.memory_space<hbm>>
    tpu.enqueue_dma source(%arg7 : memref<256x64xf32, #tpu.memory_space<vmem>>) target(%dma_start3A_313 : memref<256x64xf32, #tpu.memory_space<hbm>>) target_semaphore(%arg11 : memref<!tpu.dma_semaphore, #tpu.memory_space<semaphore_mem>>)
    %add3A_314 = arith.constant 7 : i32
    %add3A_315 = arith.addi %mul3A_18, %add3A_314 : i32
    %mul3A_316 = arith.constant 512 : i32
    %mul3A_317 = arith.muli %add3A_315, %mul3A_316 : i32
    %add3A_318 = arith.addi %mul3A_317, %sub3A_61 : i32
    %mul3A_319 = arith.constant 64 : i32
    %mul3A_320 = arith.muli %select_n3A_58, %mul3A_319 : i32
    %dma_wait3A_321 = tpu.memref_slice %arg4[%add3A_318, %mul3A_320] : memref<102400x128xf32, #tpu.memory_space<hbm>> -> memref<256x64xf32, #tpu.memory_space<hbm>>
    %dma_wait3A_322 = tpu.memref_slice %arg4[%add3A_318, %mul3A_320] : memref<102400x128xf32, #tpu.memory_space<hbm>> -> memref<256x64xf32, #tpu.memory_space<hbm>>
    tpu.wait_dma2 semaphore(%arg11 : memref<!tpu.dma_semaphore, #tpu.memory_space<semaphore_mem>>) src(%arg7 : memref<256x64xf32, #tpu.memory_space<vmem>>) dst(%dma_wait3A_322 : memref<256x64xf32, #tpu.memory_space<hbm>>)
    %dma_start3A_323 = arith.constant 9 : i32
    %dma_start3A_324 = arith.constant 0 : i32
    %dma_start3A_325 = tpu.memref_slice %arg5[%dma_start3A_323, %dma_start3A_324] : memref<25x256xi32, #tpu.memory_space<vmem>> -> memref<1x256xi32, #tpu.memory_space<vmem>>
    %dma_start3A_326 = tpu.memref_squeeze %dma_start3A_325 : memref<1x256xi32, #tpu.memory_space<vmem>> -> memref<256xi32, #tpu.memory_space<vmem>>
    %dma_start3A_327 = arith.constant 0 : i32
    %dma_start3A_328 = arith.constant 0 : i32
    %dma_start3A_329 = tpu.memref_slice %arg2[%dma_start3A_327, %dma_start3A_328] : memref<100000x64xf32, #tpu.memory_space<hbm>> -> memref<100000x64xf32, #tpu.memory_space<hbm>>
    tpu.enqueue_indirect_dma source(%dma_start3A_329 : memref<100000x64xf32, #tpu.memory_space<hbm>>) target(%arg7 : memref<256x64xf32, #tpu.memory_space<vmem>>) offsets(%dma_start3A_326 : memref<256xi32, #tpu.memory_space<vmem>>) semaphore(%arg9 : memref<!tpu.dma_semaphore, #tpu.memory_space<semaphore_mem>>)
    %dma_wait3A_330 = arith.constant 8 : i32
    %dma_wait3A_331 = arith.constant 0 : i32
    %dma_wait3A_332 = tpu.memref_slice %arg5[%dma_wait3A_330, %dma_wait3A_331] : memref<25x256xi32, #tpu.memory_space<vmem>> -> memref<1x256xi32, #tpu.memory_space<vmem>>
    %dma_wait3A_333 = tpu.memref_squeeze %dma_wait3A_332 : memref<1x256xi32, #tpu.memory_space<vmem>> -> memref<256xi32, #tpu.memory_space<vmem>>
    %dma_wait3A_334 = arith.constant 0 : i32
    %dma_wait3A_335 = arith.constant 0 : i32
    %dma_wait3A_336 = tpu.memref_slice %arg2[%dma_wait3A_334, %dma_wait3A_335] : memref<100000x64xf32, #tpu.memory_space<hbm>> -> memref<100000x64xf32, #tpu.memory_space<hbm>>
    tpu.wait_indirect_dma semaphore(%arg8 : memref<!tpu.dma_semaphore, #tpu.memory_space<semaphore_mem>>) src(%dma_wait3A_336 : memref<100000x64xf32, #tpu.memory_space<hbm>>) dst(%arg6 : memref<256x64xf32, #tpu.memory_space<vmem>>)
    %add3A_337 = arith.constant 8 : i32
    %add3A_338 = arith.addi %mul3A_18, %add3A_337 : i32
    %mul3A_339 = arith.constant 512 : i32
    %mul3A_340 = arith.muli %add3A_338, %mul3A_339 : i32
    %add3A_341 = arith.addi %mul3A_340, %sub3A_61 : i32
    %mul3A_342 = arith.constant 64 : i32
    %mul3A_343 = arith.muli %select_n3A_58, %mul3A_342 : i32
    %dma_start3A_344 = tpu.memref_slice %arg4[%add3A_341, %mul3A_343] : memref<102400x128xf32, #tpu.memory_space<hbm>> -> memref<256x64xf32, #tpu.memory_space<hbm>>
    %dma_start3A_345 = tpu.memref_slice %arg4[%add3A_341, %mul3A_343] : memref<102400x128xf32, #tpu.memory_space<hbm>> -> memref<256x64xf32, #tpu.memory_space<hbm>>
    tpu.enqueue_dma source(%arg6 : memref<256x64xf32, #tpu.memory_space<vmem>>) target(%dma_start3A_345 : memref<256x64xf32, #tpu.memory_space<hbm>>) target_semaphore(%arg10 : memref<!tpu.dma_semaphore, #tpu.memory_space<semaphore_mem>>)
    %add3A_346 = arith.constant 8 : i32
    %add3A_347 = arith.addi %mul3A_18, %add3A_346 : i32
    %mul3A_348 = arith.constant 512 : i32
    %mul3A_349 = arith.muli %add3A_347, %mul3A_348 : i32
    %add3A_350 = arith.addi %mul3A_349, %sub3A_61 : i32
    %mul3A_351 = arith.constant 64 : i32
    %mul3A_352 = arith.muli %select_n3A_58, %mul3A_351 : i32
    %dma_wait3A_353 = tpu.memref_slice %arg4[%add3A_350, %mul3A_352] : memref<102400x128xf32, #tpu.memory_space<hbm>> -> memref<256x64xf32, #tpu.memory_space<hbm>>
    %dma_wait3A_354 = tpu.memref_slice %arg4[%add3A_350, %mul3A_352] : memref<102400x128xf32, #tpu.memory_space<hbm>> -> memref<256x64xf32, #tpu.memory_space<hbm>>
    tpu.wait_dma2 semaphore(%arg10 : memref<!tpu.dma_semaphore, #tpu.memory_space<semaphore_mem>>) src(%arg6 : memref<256x64xf32, #tpu.memory_space<vmem>>) dst(%dma_wait3A_354 : memref<256x64xf32, #tpu.memory_space<hbm>>)
    %dma_start3A_355 = arith.constant 10 : i32
    %dma_start3A_356 = arith.constant 0 : i32
    %dma_start3A_357 = tpu.memref_slice %arg5[%dma_start3A_355, %dma_start3A_356] : memref<25x256xi32, #tpu.memory_space<vmem>> -> memref<1x256xi32, #tpu.memory_space<vmem>>
    %dma_start3A_358 = tpu.memref_squeeze %dma_start3A_357 : memref<1x256xi32, #tpu.memory_space<vmem>> -> memref<256xi32, #tpu.memory_space<vmem>>
    %dma_start3A_359 = arith.constant 0 : i32
    %dma_start3A_360 = arith.constant 0 : i32
    %dma_start3A_361 = tpu.memref_slice %arg2[%dma_start3A_359, %dma_start3A_360] : memref<100000x64xf32, #tpu.memory_space<hbm>> -> memref<100000x64xf32, #tpu.memory_space<hbm>>
    tpu.enqueue_indirect_dma source(%dma_start3A_361 : memref<100000x64xf32, #tpu.memory_space<hbm>>) target(%arg6 : memref<256x64xf32, #tpu.memory_space<vmem>>) offsets(%dma_start3A_358 : memref<256xi32, #tpu.memory_space<vmem>>) semaphore(%arg8 : memref<!tpu.dma_semaphore, #tpu.memory_space<semaphore_mem>>)
    %dma_wait3A_362 = arith.constant 9 : i32
    %dma_wait3A_363 = arith.constant 0 : i32
    %dma_wait3A_364 = tpu.memref_slice %arg5[%dma_wait3A_362, %dma_wait3A_363] : memref<25x256xi32, #tpu.memory_space<vmem>> -> memref<1x256xi32, #tpu.memory_space<vmem>>
    %dma_wait3A_365 = tpu.memref_squeeze %dma_wait3A_364 : memref<1x256xi32, #tpu.memory_space<vmem>> -> memref<256xi32, #tpu.memory_space<vmem>>
    %dma_wait3A_366 = arith.constant 0 : i32
    %dma_wait3A_367 = arith.constant 0 : i32
    %dma_wait3A_368 = tpu.memref_slice %arg2[%dma_wait3A_366, %dma_wait3A_367] : memref<100000x64xf32, #tpu.memory_space<hbm>> -> memref<100000x64xf32, #tpu.memory_space<hbm>>
    tpu.wait_indirect_dma semaphore(%arg9 : memref<!tpu.dma_semaphore, #tpu.memory_space<semaphore_mem>>) src(%dma_wait3A_368 : memref<100000x64xf32, #tpu.memory_space<hbm>>) dst(%arg7 : memref<256x64xf32, #tpu.memory_space<vmem>>)
    %add3A_369 = arith.constant 9 : i32
    %add3A_370 = arith.addi %mul3A_18, %add3A_369 : i32
    %mul3A_371 = arith.constant 512 : i32
    %mul3A_372 = arith.muli %add3A_370, %mul3A_371 : i32
    %add3A_373 = arith.addi %mul3A_372, %sub3A_61 : i32
    %mul3A_374 = arith.constant 64 : i32
    %mul3A_375 = arith.muli %select_n3A_58, %mul3A_374 : i32
    %dma_start3A_376 = tpu.memref_slice %arg4[%add3A_373, %mul3A_375] : memref<102400x128xf32, #tpu.memory_space<hbm>> -> memref<256x64xf32, #tpu.memory_space<hbm>>
    %dma_start3A_377 = tpu.memref_slice %arg4[%add3A_373, %mul3A_375] : memref<102400x128xf32, #tpu.memory_space<hbm>> -> memref<256x64xf32, #tpu.memory_space<hbm>>
    tpu.enqueue_dma source(%arg7 : memref<256x64xf32, #tpu.memory_space<vmem>>) target(%dma_start3A_377 : memref<256x64xf32, #tpu.memory_space<hbm>>) target_semaphore(%arg11 : memref<!tpu.dma_semaphore, #tpu.memory_space<semaphore_mem>>)
    %add3A_378 = arith.constant 9 : i32
    %add3A_379 = arith.addi %mul3A_18, %add3A_378 : i32
    %mul3A_380 = arith.constant 512 : i32
    %mul3A_381 = arith.muli %add3A_379, %mul3A_380 : i32
    %add3A_382 = arith.addi %mul3A_381, %sub3A_61 : i32
    %mul3A_383 = arith.constant 64 : i32
    %mul3A_384 = arith.muli %select_n3A_58, %mul3A_383 : i32
    %dma_wait3A_385 = tpu.memref_slice %arg4[%add3A_382, %mul3A_384] : memref<102400x128xf32, #tpu.memory_space<hbm>> -> memref<256x64xf32, #tpu.memory_space<hbm>>
    %dma_wait3A_386 = tpu.memref_slice %arg4[%add3A_382, %mul3A_384] : memref<102400x128xf32, #tpu.memory_space<hbm>> -> memref<256x64xf32, #tpu.memory_space<hbm>>
    tpu.wait_dma2 semaphore(%arg11 : memref<!tpu.dma_semaphore, #tpu.memory_space<semaphore_mem>>) src(%arg7 : memref<256x64xf32, #tpu.memory_space<vmem>>) dst(%dma_wait3A_386 : memref<256x64xf32, #tpu.memory_space<hbm>>)
    %dma_start3A_387 = arith.constant 11 : i32
    %dma_start3A_388 = arith.constant 0 : i32
    %dma_start3A_389 = tpu.memref_slice %arg5[%dma_start3A_387, %dma_start3A_388] : memref<25x256xi32, #tpu.memory_space<vmem>> -> memref<1x256xi32, #tpu.memory_space<vmem>>
    %dma_start3A_390 = tpu.memref_squeeze %dma_start3A_389 : memref<1x256xi32, #tpu.memory_space<vmem>> -> memref<256xi32, #tpu.memory_space<vmem>>
    %dma_start3A_391 = arith.constant 0 : i32
    %dma_start3A_392 = arith.constant 0 : i32
    %dma_start3A_393 = tpu.memref_slice %arg2[%dma_start3A_391, %dma_start3A_392] : memref<100000x64xf32, #tpu.memory_space<hbm>> -> memref<100000x64xf32, #tpu.memory_space<hbm>>
    tpu.enqueue_indirect_dma source(%dma_start3A_393 : memref<100000x64xf32, #tpu.memory_space<hbm>>) target(%arg7 : memref<256x64xf32, #tpu.memory_space<vmem>>) offsets(%dma_start3A_390 : memref<256xi32, #tpu.memory_space<vmem>>) semaphore(%arg9 : memref<!tpu.dma_semaphore, #tpu.memory_space<semaphore_mem>>)
    %dma_wait3A_394 = arith.constant 10 : i32
    %dma_wait3A_395 = arith.constant 0 : i32
    %dma_wait3A_396 = tpu.memref_slice %arg5[%dma_wait3A_394, %dma_wait3A_395] : memref<25x256xi32, #tpu.memory_space<vmem>> -> memref<1x256xi32, #tpu.memory_space<vmem>>
    %dma_wait3A_397 = tpu.memref_squeeze %dma_wait3A_396 : memref<1x256xi32, #tpu.memory_space<vmem>> -> memref<256xi32, #tpu.memory_space<vmem>>
    %dma_wait3A_398 = arith.constant 0 : i32
    %dma_wait3A_399 = arith.constant 0 : i32
    %dma_wait3A_400 = tpu.memref_slice %arg2[%dma_wait3A_398, %dma_wait3A_399] : memref<100000x64xf32, #tpu.memory_space<hbm>> -> memref<100000x64xf32, #tpu.memory_space<hbm>>
    tpu.wait_indirect_dma semaphore(%arg8 : memref<!tpu.dma_semaphore, #tpu.memory_space<semaphore_mem>>) src(%dma_wait3A_400 : memref<100000x64xf32, #tpu.memory_space<hbm>>) dst(%arg6 : memref<256x64xf32, #tpu.memory_space<vmem>>)
    %add3A_401 = arith.constant 10 : i32
    %add3A_402 = arith.addi %mul3A_18, %add3A_401 : i32
    %mul3A_403 = arith.constant 512 : i32
    %mul3A_404 = arith.muli %add3A_402, %mul3A_403 : i32
    %add3A_405 = arith.addi %mul3A_404, %sub3A_61 : i32
    %mul3A_406 = arith.constant 64 : i32
    %mul3A_407 = arith.muli %select_n3A_58, %mul3A_406 : i32
    %dma_start3A_408 = tpu.memref_slice %arg4[%add3A_405, %mul3A_407] : memref<102400x128xf32, #tpu.memory_space<hbm>> -> memref<256x64xf32, #tpu.memory_space<hbm>>
    %dma_start3A_409 = tpu.memref_slice %arg4[%add3A_405, %mul3A_407] : memref<102400x128xf32, #tpu.memory_space<hbm>> -> memref<256x64xf32, #tpu.memory_space<hbm>>
    tpu.enqueue_dma source(%arg6 : memref<256x64xf32, #tpu.memory_space<vmem>>) target(%dma_start3A_409 : memref<256x64xf32, #tpu.memory_space<hbm>>) target_semaphore(%arg10 : memref<!tpu.dma_semaphore, #tpu.memory_space<semaphore_mem>>)
    %add3A_410 = arith.constant 10 : i32
    %add3A_411 = arith.addi %mul3A_18, %add3A_410 : i32
    %mul3A_412 = arith.constant 512 : i32
    %mul3A_413 = arith.muli %add3A_411, %mul3A_412 : i32
    %add3A_414 = arith.addi %mul3A_413, %sub3A_61 : i32
    %mul3A_415 = arith.constant 64 : i32
    %mul3A_416 = arith.muli %select_n3A_58, %mul3A_415 : i32
    %dma_wait3A_417 = tpu.memref_slice %arg4[%add3A_414, %mul3A_416] : memref<102400x128xf32, #tpu.memory_space<hbm>> -> memref<256x64xf32, #tpu.memory_space<hbm>>
    %dma_wait3A_418 = tpu.memref_slice %arg4[%add3A_414, %mul3A_416] : memref<102400x128xf32, #tpu.memory_space<hbm>> -> memref<256x64xf32, #tpu.memory_space<hbm>>
    tpu.wait_dma2 semaphore(%arg10 : memref<!tpu.dma_semaphore, #tpu.memory_space<semaphore_mem>>) src(%arg6 : memref<256x64xf32, #tpu.memory_space<vmem>>) dst(%dma_wait3A_418 : memref<256x64xf32, #tpu.memory_space<hbm>>)
    %dma_start3A_419 = arith.constant 12 : i32
    %dma_start3A_420 = arith.constant 0 : i32
    %dma_start3A_421 = tpu.memref_slice %arg5[%dma_start3A_419, %dma_start3A_420] : memref<25x256xi32, #tpu.memory_space<vmem>> -> memref<1x256xi32, #tpu.memory_space<vmem>>
    %dma_start3A_422 = tpu.memref_squeeze %dma_start3A_421 : memref<1x256xi32, #tpu.memory_space<vmem>> -> memref<256xi32, #tpu.memory_space<vmem>>
    %dma_start3A_423 = arith.constant 0 : i32
    %dma_start3A_424 = arith.constant 0 : i32
    %dma_start3A_425 = tpu.memref_slice %arg2[%dma_start3A_423, %dma_start3A_424] : memref<100000x64xf32, #tpu.memory_space<hbm>> -> memref<100000x64xf32, #tpu.memory_space<hbm>>
    tpu.enqueue_indirect_dma source(%dma_start3A_425 : memref<100000x64xf32, #tpu.memory_space<hbm>>) target(%arg6 : memref<256x64xf32, #tpu.memory_space<vmem>>) offsets(%dma_start3A_422 : memref<256xi32, #tpu.memory_space<vmem>>) semaphore(%arg8 : memref<!tpu.dma_semaphore, #tpu.memory_space<semaphore_mem>>)
    %dma_wait3A_426 = arith.constant 11 : i32
    %dma_wait3A_427 = arith.constant 0 : i32
    %dma_wait3A_428 = tpu.memref_slice %arg5[%dma_wait3A_426, %dma_wait3A_427] : memref<25x256xi32, #tpu.memory_space<vmem>> -> memref<1x256xi32, #tpu.memory_space<vmem>>
    %dma_wait3A_429 = tpu.memref_squeeze %dma_wait3A_428 : memref<1x256xi32, #tpu.memory_space<vmem>> -> memref<256xi32, #tpu.memory_space<vmem>>
    %dma_wait3A_430 = arith.constant 0 : i32
    %dma_wait3A_431 = arith.constant 0 : i32
    %dma_wait3A_432 = tpu.memref_slice %arg2[%dma_wait3A_430, %dma_wait3A_431] : memref<100000x64xf32, #tpu.memory_space<hbm>> -> memref<100000x64xf32, #tpu.memory_space<hbm>>
    tpu.wait_indirect_dma semaphore(%arg9 : memref<!tpu.dma_semaphore, #tpu.memory_space<semaphore_mem>>) src(%dma_wait3A_432 : memref<100000x64xf32, #tpu.memory_space<hbm>>) dst(%arg7 : memref<256x64xf32, #tpu.memory_space<vmem>>)
    %add3A_433 = arith.constant 11 : i32
    %add3A_434 = arith.addi %mul3A_18, %add3A_433 : i32
    %mul3A_435 = arith.constant 512 : i32
    %mul3A_436 = arith.muli %add3A_434, %mul3A_435 : i32
    %add3A_437 = arith.addi %mul3A_436, %sub3A_61 : i32
    %mul3A_438 = arith.constant 64 : i32
    %mul3A_439 = arith.muli %select_n3A_58, %mul3A_438 : i32
    %dma_start3A_440 = tpu.memref_slice %arg4[%add3A_437, %mul3A_439] : memref<102400x128xf32, #tpu.memory_space<hbm>> -> memref<256x64xf32, #tpu.memory_space<hbm>>
    %dma_start3A_441 = tpu.memref_slice %arg4[%add3A_437, %mul3A_439] : memref<102400x128xf32, #tpu.memory_space<hbm>> -> memref<256x64xf32, #tpu.memory_space<hbm>>
    tpu.enqueue_dma source(%arg7 : memref<256x64xf32, #tpu.memory_space<vmem>>) target(%dma_start3A_441 : memref<256x64xf32, #tpu.memory_space<hbm>>) target_semaphore(%arg11 : memref<!tpu.dma_semaphore, #tpu.memory_space<semaphore_mem>>)
    %add3A_442 = arith.constant 11 : i32
    %add3A_443 = arith.addi %mul3A_18, %add3A_442 : i32
    %mul3A_444 = arith.constant 512 : i32
    %mul3A_445 = arith.muli %add3A_443, %mul3A_444 : i32
    %add3A_446 = arith.addi %mul3A_445, %sub3A_61 : i32
    %mul3A_447 = arith.constant 64 : i32
    %mul3A_448 = arith.muli %select_n3A_58, %mul3A_447 : i32
    %dma_wait3A_449 = tpu.memref_slice %arg4[%add3A_446, %mul3A_448] : memref<102400x128xf32, #tpu.memory_space<hbm>> -> memref<256x64xf32, #tpu.memory_space<hbm>>
    %dma_wait3A_450 = tpu.memref_slice %arg4[%add3A_446, %mul3A_448] : memref<102400x128xf32, #tpu.memory_space<hbm>> -> memref<256x64xf32, #tpu.memory_space<hbm>>
    tpu.wait_dma2 semaphore(%arg11 : memref<!tpu.dma_semaphore, #tpu.memory_space<semaphore_mem>>) src(%arg7 : memref<256x64xf32, #tpu.memory_space<vmem>>) dst(%dma_wait3A_450 : memref<256x64xf32, #tpu.memory_space<hbm>>)
    %dma_start3A_451 = arith.constant 13 : i32
    %dma_start3A_452 = arith.constant 0 : i32
    %dma_start3A_453 = tpu.memref_slice %arg5[%dma_start3A_451, %dma_start3A_452] : memref<25x256xi32, #tpu.memory_space<vmem>> -> memref<1x256xi32, #tpu.memory_space<vmem>>
    %dma_start3A_454 = tpu.memref_squeeze %dma_start3A_453 : memref<1x256xi32, #tpu.memory_space<vmem>> -> memref<256xi32, #tpu.memory_space<vmem>>
    %dma_start3A_455 = arith.constant 0 : i32
    %dma_start3A_456 = arith.constant 0 : i32
    %dma_start3A_457 = tpu.memref_slice %arg2[%dma_start3A_455, %dma_start3A_456] : memref<100000x64xf32, #tpu.memory_space<hbm>> -> memref<100000x64xf32, #tpu.memory_space<hbm>>
    tpu.enqueue_indirect_dma source(%dma_start3A_457 : memref<100000x64xf32, #tpu.memory_space<hbm>>) target(%arg7 : memref<256x64xf32, #tpu.memory_space<vmem>>) offsets(%dma_start3A_454 : memref<256xi32, #tpu.memory_space<vmem>>) semaphore(%arg9 : memref<!tpu.dma_semaphore, #tpu.memory_space<semaphore_mem>>)
    %dma_wait3A_458 = arith.constant 12 : i32
    %dma_wait3A_459 = arith.constant 0 : i32
    %dma_wait3A_460 = tpu.memref_slice %arg5[%dma_wait3A_458, %dma_wait3A_459] : memref<25x256xi32, #tpu.memory_space<vmem>> -> memref<1x256xi32, #tpu.memory_space<vmem>>
    %dma_wait3A_461 = tpu.memref_squeeze %dma_wait3A_460 : memref<1x256xi32, #tpu.memory_space<vmem>> -> memref<256xi32, #tpu.memory_space<vmem>>
    %dma_wait3A_462 = arith.constant 0 : i32
    %dma_wait3A_463 = arith.constant 0 : i32
    %dma_wait3A_464 = tpu.memref_slice %arg2[%dma_wait3A_462, %dma_wait3A_463] : memref<100000x64xf32, #tpu.memory_space<hbm>> -> memref<100000x64xf32, #tpu.memory_space<hbm>>
    tpu.wait_indirect_dma semaphore(%arg8 : memref<!tpu.dma_semaphore, #tpu.memory_space<semaphore_mem>>) src(%dma_wait3A_464 : memref<100000x64xf32, #tpu.memory_space<hbm>>) dst(%arg6 : memref<256x64xf32, #tpu.memory_space<vmem>>)
    %add3A_465 = arith.constant 12 : i32
    %add3A_466 = arith.addi %mul3A_18, %add3A_465 : i32
    %mul3A_467 = arith.constant 512 : i32
    %mul3A_468 = arith.muli %add3A_466, %mul3A_467 : i32
    %add3A_469 = arith.addi %mul3A_468, %sub3A_61 : i32
    %mul3A_470 = arith.constant 64 : i32
    %mul3A_471 = arith.muli %select_n3A_58, %mul3A_470 : i32
    %dma_start3A_472 = tpu.memref_slice %arg4[%add3A_469, %mul3A_471] : memref<102400x128xf32, #tpu.memory_space<hbm>> -> memref<256x64xf32, #tpu.memory_space<hbm>>
    %dma_start3A_473 = tpu.memref_slice %arg4[%add3A_469, %mul3A_471] : memref<102400x128xf32, #tpu.memory_space<hbm>> -> memref<256x64xf32, #tpu.memory_space<hbm>>
    tpu.enqueue_dma source(%arg6 : memref<256x64xf32, #tpu.memory_space<vmem>>) target(%dma_start3A_473 : memref<256x64xf32, #tpu.memory_space<hbm>>) target_semaphore(%arg10 : memref<!tpu.dma_semaphore, #tpu.memory_space<semaphore_mem>>)
    %add3A_474 = arith.constant 12 : i32
    %add3A_475 = arith.addi %mul3A_18, %add3A_474 : i32
    %mul3A_476 = arith.constant 512 : i32
    %mul3A_477 = arith.muli %add3A_475, %mul3A_476 : i32
    %add3A_478 = arith.addi %mul3A_477, %sub3A_61 : i32
    %mul3A_479 = arith.constant 64 : i32
    %mul3A_480 = arith.muli %select_n3A_58, %mul3A_479 : i32
    %dma_wait3A_481 = tpu.memref_slice %arg4[%add3A_478, %mul3A_480] : memref<102400x128xf32, #tpu.memory_space<hbm>> -> memref<256x64xf32, #tpu.memory_space<hbm>>
    %dma_wait3A_482 = tpu.memref_slice %arg4[%add3A_478, %mul3A_480] : memref<102400x128xf32, #tpu.memory_space<hbm>> -> memref<256x64xf32, #tpu.memory_space<hbm>>
    tpu.wait_dma2 semaphore(%arg10 : memref<!tpu.dma_semaphore, #tpu.memory_space<semaphore_mem>>) src(%arg6 : memref<256x64xf32, #tpu.memory_space<vmem>>) dst(%dma_wait3A_482 : memref<256x64xf32, #tpu.memory_space<hbm>>)
    %dma_start3A_483 = arith.constant 14 : i32
    %dma_start3A_484 = arith.constant 0 : i32
    %dma_start3A_485 = tpu.memref_slice %arg5[%dma_start3A_483, %dma_start3A_484] : memref<25x256xi32, #tpu.memory_space<vmem>> -> memref<1x256xi32, #tpu.memory_space<vmem>>
    %dma_start3A_486 = tpu.memref_squeeze %dma_start3A_485 : memref<1x256xi32, #tpu.memory_space<vmem>> -> memref<256xi32, #tpu.memory_space<vmem>>
    %dma_start3A_487 = arith.constant 0 : i32
    %dma_start3A_488 = arith.constant 0 : i32
    %dma_start3A_489 = tpu.memref_slice %arg2[%dma_start3A_487, %dma_start3A_488] : memref<100000x64xf32, #tpu.memory_space<hbm>> -> memref<100000x64xf32, #tpu.memory_space<hbm>>
    tpu.enqueue_indirect_dma source(%dma_start3A_489 : memref<100000x64xf32, #tpu.memory_space<hbm>>) target(%arg6 : memref<256x64xf32, #tpu.memory_space<vmem>>) offsets(%dma_start3A_486 : memref<256xi32, #tpu.memory_space<vmem>>) semaphore(%arg8 : memref<!tpu.dma_semaphore, #tpu.memory_space<semaphore_mem>>)
    %dma_wait3A_490 = arith.constant 13 : i32
    %dma_wait3A_491 = arith.constant 0 : i32
    %dma_wait3A_492 = tpu.memref_slice %arg5[%dma_wait3A_490, %dma_wait3A_491] : memref<25x256xi32, #tpu.memory_space<vmem>> -> memref<1x256xi32, #tpu.memory_space<vmem>>
    %dma_wait3A_493 = tpu.memref_squeeze %dma_wait3A_492 : memref<1x256xi32, #tpu.memory_space<vmem>> -> memref<256xi32, #tpu.memory_space<vmem>>
    %dma_wait3A_494 = arith.constant 0 : i32
    %dma_wait3A_495 = arith.constant 0 : i32
    %dma_wait3A_496 = tpu.memref_slice %arg2[%dma_wait3A_494, %dma_wait3A_495] : memref<100000x64xf32, #tpu.memory_space<hbm>> -> memref<100000x64xf32, #tpu.memory_space<hbm>>
    tpu.wait_indirect_dma semaphore(%arg9 : memref<!tpu.dma_semaphore, #tpu.memory_space<semaphore_mem>>) src(%dma_wait3A_496 : memref<100000x64xf32, #tpu.memory_space<hbm>>) dst(%arg7 : memref<256x64xf32, #tpu.memory_space<vmem>>)
    %add3A_497 = arith.constant 13 : i32
    %add3A_498 = arith.addi %mul3A_18, %add3A_497 : i32
    %mul3A_499 = arith.constant 512 : i32
    %mul3A_500 = arith.muli %add3A_498, %mul3A_499 : i32
    %add3A_501 = arith.addi %mul3A_500, %sub3A_61 : i32
    %mul3A_502 = arith.constant 64 : i32
    %mul3A_503 = arith.muli %select_n3A_58, %mul3A_502 : i32
    %dma_start3A_504 = tpu.memref_slice %arg4[%add3A_501, %mul3A_503] : memref<102400x128xf32, #tpu.memory_space<hbm>> -> memref<256x64xf32, #tpu.memory_space<hbm>>
    %dma_start3A_505 = tpu.memref_slice %arg4[%add3A_501, %mul3A_503] : memref<102400x128xf32, #tpu.memory_space<hbm>> -> memref<256x64xf32, #tpu.memory_space<hbm>>
    tpu.enqueue_dma source(%arg7 : memref<256x64xf32, #tpu.memory_space<vmem>>) target(%dma_start3A_505 : memref<256x64xf32, #tpu.memory_space<hbm>>) target_semaphore(%arg11 : memref<!tpu.dma_semaphore, #tpu.memory_space<semaphore_mem>>)
    %add3A_506 = arith.constant 13 : i32
    %add3A_507 = arith.addi %mul3A_18, %add3A_506 : i32
    %mul3A_508 = arith.constant 512 : i32
    %mul3A_509 = arith.muli %add3A_507, %mul3A_508 : i32
    %add3A_510 = arith.addi %mul3A_509, %sub3A_61 : i32
    %mul3A_511 = arith.constant 64 : i32
    %mul3A_512 = arith.muli %select_n3A_58, %mul3A_511 : i32
    %dma_wait3A_513 = tpu.memref_slice %arg4[%add3A_510, %mul3A_512] : memref<102400x128xf32, #tpu.memory_space<hbm>> -> memref<256x64xf32, #tpu.memory_space<hbm>>
    %dma_wait3A_514 = tpu.memref_slice %arg4[%add3A_510, %mul3A_512] : memref<102400x128xf32, #tpu.memory_space<hbm>> -> memref<256x64xf32, #tpu.memory_space<hbm>>
    tpu.wait_dma2 semaphore(%arg11 : memref<!tpu.dma_semaphore, #tpu.memory_space<semaphore_mem>>) src(%arg7 : memref<256x64xf32, #tpu.memory_space<vmem>>) dst(%dma_wait3A_514 : memref<256x64xf32, #tpu.memory_space<hbm>>)
    %dma_start3A_515 = arith.constant 15 : i32
    %dma_start3A_516 = arith.constant 0 : i32
    %dma_start3A_517 = tpu.memref_slice %arg5[%dma_start3A_515, %dma_start3A_516] : memref<25x256xi32, #tpu.memory_space<vmem>> -> memref<1x256xi32, #tpu.memory_space<vmem>>
    %dma_start3A_518 = tpu.memref_squeeze %dma_start3A_517 : memref<1x256xi32, #tpu.memory_space<vmem>> -> memref<256xi32, #tpu.memory_space<vmem>>
    %dma_start3A_519 = arith.constant 0 : i32
    %dma_start3A_520 = arith.constant 0 : i32
    %dma_start3A_521 = tpu.memref_slice %arg2[%dma_start3A_519, %dma_start3A_520] : memref<100000x64xf32, #tpu.memory_space<hbm>> -> memref<100000x64xf32, #tpu.memory_space<hbm>>
    tpu.enqueue_indirect_dma source(%dma_start3A_521 : memref<100000x64xf32, #tpu.memory_space<hbm>>) target(%arg7 : memref<256x64xf32, #tpu.memory_space<vmem>>) offsets(%dma_start3A_518 : memref<256xi32, #tpu.memory_space<vmem>>) semaphore(%arg9 : memref<!tpu.dma_semaphore, #tpu.memory_space<semaphore_mem>>)
    %dma_wait3A_522 = arith.constant 14 : i32
    %dma_wait3A_523 = arith.constant 0 : i32
    %dma_wait3A_524 = tpu.memref_slice %arg5[%dma_wait3A_522, %dma_wait3A_523] : memref<25x256xi32, #tpu.memory_space<vmem>> -> memref<1x256xi32, #tpu.memory_space<vmem>>
    %dma_wait3A_525 = tpu.memref_squeeze %dma_wait3A_524 : memref<1x256xi32, #tpu.memory_space<vmem>> -> memref<256xi32, #tpu.memory_space<vmem>>
    %dma_wait3A_526 = arith.constant 0 : i32
    %dma_wait3A_527 = arith.constant 0 : i32
    %dma_wait3A_528 = tpu.memref_slice %arg2[%dma_wait3A_526, %dma_wait3A_527] : memref<100000x64xf32, #tpu.memory_space<hbm>> -> memref<100000x64xf32, #tpu.memory_space<hbm>>
    tpu.wait_indirect_dma semaphore(%arg8 : memref<!tpu.dma_semaphore, #tpu.memory_space<semaphore_mem>>) src(%dma_wait3A_528 : memref<100000x64xf32, #tpu.memory_space<hbm>>) dst(%arg6 : memref<256x64xf32, #tpu.memory_space<vmem>>)
    %add3A_529 = arith.constant 14 : i32
    %add3A_530 = arith.addi %mul3A_18, %add3A_529 : i32
    %mul3A_531 = arith.constant 512 : i32
    %mul3A_532 = arith.muli %add3A_530, %mul3A_531 : i32
    %add3A_533 = arith.addi %mul3A_532, %sub3A_61 : i32
    %mul3A_534 = arith.constant 64 : i32
    %mul3A_535 = arith.muli %select_n3A_58, %mul3A_534 : i32
    %dma_start3A_536 = tpu.memref_slice %arg4[%add3A_533, %mul3A_535] : memref<102400x128xf32, #tpu.memory_space<hbm>> -> memref<256x64xf32, #tpu.memory_space<hbm>>
    %dma_start3A_537 = tpu.memref_slice %arg4[%add3A_533, %mul3A_535] : memref<102400x128xf32, #tpu.memory_space<hbm>> -> memref<256x64xf32, #tpu.memory_space<hbm>>
    tpu.enqueue_dma source(%arg6 : memref<256x64xf32, #tpu.memory_space<vmem>>) target(%dma_start3A_537 : memref<256x64xf32, #tpu.memory_space<hbm>>) target_semaphore(%arg10 : memref<!tpu.dma_semaphore, #tpu.memory_space<semaphore_mem>>)
    %add3A_538 = arith.constant 14 : i32
    %add3A_539 = arith.addi %mul3A_18, %add3A_538 : i32
    %mul3A_540 = arith.constant 512 : i32
    %mul3A_541 = arith.muli %add3A_539, %mul3A_540 : i32
    %add3A_542 = arith.addi %mul3A_541, %sub3A_61 : i32
    %mul3A_543 = arith.constant 64 : i32
    %mul3A_544 = arith.muli %select_n3A_58, %mul3A_543 : i32
    %dma_wait3A_545 = tpu.memref_slice %arg4[%add3A_542, %mul3A_544] : memref<102400x128xf32, #tpu.memory_space<hbm>> -> memref<256x64xf32, #tpu.memory_space<hbm>>
    %dma_wait3A_546 = tpu.memref_slice %arg4[%add3A_542, %mul3A_544] : memref<102400x128xf32, #tpu.memory_space<hbm>> -> memref<256x64xf32, #tpu.memory_space<hbm>>
    tpu.wait_dma2 semaphore(%arg10 : memref<!tpu.dma_semaphore, #tpu.memory_space<semaphore_mem>>) src(%arg6 : memref<256x64xf32, #tpu.memory_space<vmem>>) dst(%dma_wait3A_546 : memref<256x64xf32, #tpu.memory_space<hbm>>)
    %dma_start3A_547 = arith.constant 16 : i32
    %dma_start3A_548 = arith.constant 0 : i32
    %dma_start3A_549 = tpu.memref_slice %arg5[%dma_start3A_547, %dma_start3A_548] : memref<25x256xi32, #tpu.memory_space<vmem>> -> memref<1x256xi32, #tpu.memory_space<vmem>>
    %dma_start3A_550 = tpu.memref_squeeze %dma_start3A_549 : memref<1x256xi32, #tpu.memory_space<vmem>> -> memref<256xi32, #tpu.memory_space<vmem>>
    %dma_start3A_551 = arith.constant 0 : i32
    %dma_start3A_552 = arith.constant 0 : i32
    %dma_start3A_553 = tpu.memref_slice %arg2[%dma_start3A_551, %dma_start3A_552] : memref<100000x64xf32, #tpu.memory_space<hbm>> -> memref<100000x64xf32, #tpu.memory_space<hbm>>
    tpu.enqueue_indirect_dma source(%dma_start3A_553 : memref<100000x64xf32, #tpu.memory_space<hbm>>) target(%arg6 : memref<256x64xf32, #tpu.memory_space<vmem>>) offsets(%dma_start3A_550 : memref<256xi32, #tpu.memory_space<vmem>>) semaphore(%arg8 : memref<!tpu.dma_semaphore, #tpu.memory_space<semaphore_mem>>)
    %dma_wait3A_554 = arith.constant 15 : i32
    %dma_wait3A_555 = arith.constant 0 : i32
    %dma_wait3A_556 = tpu.memref_slice %arg5[%dma_wait3A_554, %dma_wait3A_555] : memref<25x256xi32, #tpu.memory_space<vmem>> -> memref<1x256xi32, #tpu.memory_space<vmem>>
    %dma_wait3A_557 = tpu.memref_squeeze %dma_wait3A_556 : memref<1x256xi32, #tpu.memory_space<vmem>> -> memref<256xi32, #tpu.memory_space<vmem>>
    %dma_wait3A_558 = arith.constant 0 : i32
    %dma_wait3A_559 = arith.constant 0 : i32
    %dma_wait3A_560 = tpu.memref_slice %arg2[%dma_wait3A_558, %dma_wait3A_559] : memref<100000x64xf32, #tpu.memory_space<hbm>> -> memref<100000x64xf32, #tpu.memory_space<hbm>>
    tpu.wait_indirect_dma semaphore(%arg9 : memref<!tpu.dma_semaphore, #tpu.memory_space<semaphore_mem>>) src(%dma_wait3A_560 : memref<100000x64xf32, #tpu.memory_space<hbm>>) dst(%arg7 : memref<256x64xf32, #tpu.memory_space<vmem>>)
    %add3A_561 = arith.constant 15 : i32
    %add3A_562 = arith.addi %mul3A_18, %add3A_561 : i32
    %mul3A_563 = arith.constant 512 : i32
    %mul3A_564 = arith.muli %add3A_562, %mul3A_563 : i32
    %add3A_565 = arith.addi %mul3A_564, %sub3A_61 : i32
    %mul3A_566 = arith.constant 64 : i32
    %mul3A_567 = arith.muli %select_n3A_58, %mul3A_566 : i32
    %dma_start3A_568 = tpu.memref_slice %arg4[%add3A_565, %mul3A_567] : memref<102400x128xf32, #tpu.memory_space<hbm>> -> memref<256x64xf32, #tpu.memory_space<hbm>>
    %dma_start3A_569 = tpu.memref_slice %arg4[%add3A_565, %mul3A_567] : memref<102400x128xf32, #tpu.memory_space<hbm>> -> memref<256x64xf32, #tpu.memory_space<hbm>>
    tpu.enqueue_dma source(%arg7 : memref<256x64xf32, #tpu.memory_space<vmem>>) target(%dma_start3A_569 : memref<256x64xf32, #tpu.memory_space<hbm>>) target_semaphore(%arg11 : memref<!tpu.dma_semaphore, #tpu.memory_space<semaphore_mem>>)
    %add3A_570 = arith.constant 15 : i32
    %add3A_571 = arith.addi %mul3A_18, %add3A_570 : i32
    %mul3A_572 = arith.constant 512 : i32
    %mul3A_573 = arith.muli %add3A_571, %mul3A_572 : i32
    %add3A_574 = arith.addi %mul3A_573, %sub3A_61 : i32
    %mul3A_575 = arith.constant 64 : i32
    %mul3A_576 = arith.muli %select_n3A_58, %mul3A_575 : i32
    %dma_wait3A_577 = tpu.memref_slice %arg4[%add3A_574, %mul3A_576] : memref<102400x128xf32, #tpu.memory_space<hbm>> -> memref<256x64xf32, #tpu.memory_space<hbm>>
    %dma_wait3A_578 = tpu.memref_slice %arg4[%add3A_574, %mul3A_576] : memref<102400x128xf32, #tpu.memory_space<hbm>> -> memref<256x64xf32, #tpu.memory_space<hbm>>
    tpu.wait_dma2 semaphore(%arg11 : memref<!tpu.dma_semaphore, #tpu.memory_space<semaphore_mem>>) src(%arg7 : memref<256x64xf32, #tpu.memory_space<vmem>>) dst(%dma_wait3A_578 : memref<256x64xf32, #tpu.memory_space<hbm>>)
    %dma_start3A_579 = arith.constant 17 : i32
    %dma_start3A_580 = arith.constant 0 : i32
    %dma_start3A_581 = tpu.memref_slice %arg5[%dma_start3A_579, %dma_start3A_580] : memref<25x256xi32, #tpu.memory_space<vmem>> -> memref<1x256xi32, #tpu.memory_space<vmem>>
    %dma_start3A_582 = tpu.memref_squeeze %dma_start3A_581 : memref<1x256xi32, #tpu.memory_space<vmem>> -> memref<256xi32, #tpu.memory_space<vmem>>
    %dma_start3A_583 = arith.constant 0 : i32
    %dma_start3A_584 = arith.constant 0 : i32
    %dma_start3A_585 = tpu.memref_slice %arg2[%dma_start3A_583, %dma_start3A_584] : memref<100000x64xf32, #tpu.memory_space<hbm>> -> memref<100000x64xf32, #tpu.memory_space<hbm>>
    tpu.enqueue_indirect_dma source(%dma_start3A_585 : memref<100000x64xf32, #tpu.memory_space<hbm>>) target(%arg7 : memref<256x64xf32, #tpu.memory_space<vmem>>) offsets(%dma_start3A_582 : memref<256xi32, #tpu.memory_space<vmem>>) semaphore(%arg9 : memref<!tpu.dma_semaphore, #tpu.memory_space<semaphore_mem>>)
    %dma_wait3A_586 = arith.constant 16 : i32
    %dma_wait3A_587 = arith.constant 0 : i32
    %dma_wait3A_588 = tpu.memref_slice %arg5[%dma_wait3A_586, %dma_wait3A_587] : memref<25x256xi32, #tpu.memory_space<vmem>> -> memref<1x256xi32, #tpu.memory_space<vmem>>
    %dma_wait3A_589 = tpu.memref_squeeze %dma_wait3A_588 : memref<1x256xi32, #tpu.memory_space<vmem>> -> memref<256xi32, #tpu.memory_space<vmem>>
    %dma_wait3A_590 = arith.constant 0 : i32
    %dma_wait3A_591 = arith.constant 0 : i32
    %dma_wait3A_592 = tpu.memref_slice %arg2[%dma_wait3A_590, %dma_wait3A_591] : memref<100000x64xf32, #tpu.memory_space<hbm>> -> memref<100000x64xf32, #tpu.memory_space<hbm>>
    tpu.wait_indirect_dma semaphore(%arg8 : memref<!tpu.dma_semaphore, #tpu.memory_space<semaphore_mem>>) src(%dma_wait3A_592 : memref<100000x64xf32, #tpu.memory_space<hbm>>) dst(%arg6 : memref<256x64xf32, #tpu.memory_space<vmem>>)
    %add3A_593 = arith.constant 16 : i32
    %add3A_594 = arith.addi %mul3A_18, %add3A_593 : i32
    %mul3A_595 = arith.constant 512 : i32
    %mul3A_596 = arith.muli %add3A_594, %mul3A_595 : i32
    %add3A_597 = arith.addi %mul3A_596, %sub3A_61 : i32
    %mul3A_598 = arith.constant 64 : i32
    %mul3A_599 = arith.muli %select_n3A_58, %mul3A_598 : i32
    %dma_start3A_600 = tpu.memref_slice %arg4[%add3A_597, %mul3A_599] : memref<102400x128xf32, #tpu.memory_space<hbm>> -> memref<256x64xf32, #tpu.memory_space<hbm>>
    %dma_start3A_601 = tpu.memref_slice %arg4[%add3A_597, %mul3A_599] : memref<102400x128xf32, #tpu.memory_space<hbm>> -> memref<256x64xf32, #tpu.memory_space<hbm>>
    tpu.enqueue_dma source(%arg6 : memref<256x64xf32, #tpu.memory_space<vmem>>) target(%dma_start3A_601 : memref<256x64xf32, #tpu.memory_space<hbm>>) target_semaphore(%arg10 : memref<!tpu.dma_semaphore, #tpu.memory_space<semaphore_mem>>)
    %add3A_602 = arith.constant 16 : i32
    %add3A_603 = arith.addi %mul3A_18, %add3A_602 : i32
    %mul3A_604 = arith.constant 512 : i32
    %mul3A_605 = arith.muli %add3A_603, %mul3A_604 : i32
    %add3A_606 = arith.addi %mul3A_605, %sub3A_61 : i32
    %mul3A_607 = arith.constant 64 : i32
    %mul3A_608 = arith.muli %select_n3A_58, %mul3A_607 : i32
    %dma_wait3A_609 = tpu.memref_slice %arg4[%add3A_606, %mul3A_608] : memref<102400x128xf32, #tpu.memory_space<hbm>> -> memref<256x64xf32, #tpu.memory_space<hbm>>
    %dma_wait3A_610 = tpu.memref_slice %arg4[%add3A_606, %mul3A_608] : memref<102400x128xf32, #tpu.memory_space<hbm>> -> memref<256x64xf32, #tpu.memory_space<hbm>>
    tpu.wait_dma2 semaphore(%arg10 : memref<!tpu.dma_semaphore, #tpu.memory_space<semaphore_mem>>) src(%arg6 : memref<256x64xf32, #tpu.memory_space<vmem>>) dst(%dma_wait3A_610 : memref<256x64xf32, #tpu.memory_space<hbm>>)
    %dma_start3A_611 = arith.constant 18 : i32
    %dma_start3A_612 = arith.constant 0 : i32
    %dma_start3A_613 = tpu.memref_slice %arg5[%dma_start3A_611, %dma_start3A_612] : memref<25x256xi32, #tpu.memory_space<vmem>> -> memref<1x256xi32, #tpu.memory_space<vmem>>
    %dma_start3A_614 = tpu.memref_squeeze %dma_start3A_613 : memref<1x256xi32, #tpu.memory_space<vmem>> -> memref<256xi32, #tpu.memory_space<vmem>>
    %dma_start3A_615 = arith.constant 0 : i32
    %dma_start3A_616 = arith.constant 0 : i32
    %dma_start3A_617 = tpu.memref_slice %arg2[%dma_start3A_615, %dma_start3A_616] : memref<100000x64xf32, #tpu.memory_space<hbm>> -> memref<100000x64xf32, #tpu.memory_space<hbm>>
    tpu.enqueue_indirect_dma source(%dma_start3A_617 : memref<100000x64xf32, #tpu.memory_space<hbm>>) target(%arg6 : memref<256x64xf32, #tpu.memory_space<vmem>>) offsets(%dma_start3A_614 : memref<256xi32, #tpu.memory_space<vmem>>) semaphore(%arg8 : memref<!tpu.dma_semaphore, #tpu.memory_space<semaphore_mem>>)
    %dma_wait3A_618 = arith.constant 17 : i32
    %dma_wait3A_619 = arith.constant 0 : i32
    %dma_wait3A_620 = tpu.memref_slice %arg5[%dma_wait3A_618, %dma_wait3A_619] : memref<25x256xi32, #tpu.memory_space<vmem>> -> memref<1x256xi32, #tpu.memory_space<vmem>>
    %dma_wait3A_621 = tpu.memref_squeeze %dma_wait3A_620 : memref<1x256xi32, #tpu.memory_space<vmem>> -> memref<256xi32, #tpu.memory_space<vmem>>
    %dma_wait3A_622 = arith.constant 0 : i32
    %dma_wait3A_623 = arith.constant 0 : i32
    %dma_wait3A_624 = tpu.memref_slice %arg2[%dma_wait3A_622, %dma_wait3A_623] : memref<100000x64xf32, #tpu.memory_space<hbm>> -> memref<100000x64xf32, #tpu.memory_space<hbm>>
    tpu.wait_indirect_dma semaphore(%arg9 : memref<!tpu.dma_semaphore, #tpu.memory_space<semaphore_mem>>) src(%dma_wait3A_624 : memref<100000x64xf32, #tpu.memory_space<hbm>>) dst(%arg7 : memref<256x64xf32, #tpu.memory_space<vmem>>)
    %add3A_625 = arith.constant 17 : i32
    %add3A_626 = arith.addi %mul3A_18, %add3A_625 : i32
    %mul3A_627 = arith.constant 512 : i32
    %mul3A_628 = arith.muli %add3A_626, %mul3A_627 : i32
    %add3A_629 = arith.addi %mul3A_628, %sub3A_61 : i32
    %mul3A_630 = arith.constant 64 : i32
    %mul3A_631 = arith.muli %select_n3A_58, %mul3A_630 : i32
    %dma_start3A_632 = tpu.memref_slice %arg4[%add3A_629, %mul3A_631] : memref<102400x128xf32, #tpu.memory_space<hbm>> -> memref<256x64xf32, #tpu.memory_space<hbm>>
    %dma_start3A_633 = tpu.memref_slice %arg4[%add3A_629, %mul3A_631] : memref<102400x128xf32, #tpu.memory_space<hbm>> -> memref<256x64xf32, #tpu.memory_space<hbm>>
    tpu.enqueue_dma source(%arg7 : memref<256x64xf32, #tpu.memory_space<vmem>>) target(%dma_start3A_633 : memref<256x64xf32, #tpu.memory_space<hbm>>) target_semaphore(%arg11 : memref<!tpu.dma_semaphore, #tpu.memory_space<semaphore_mem>>)
    %add3A_634 = arith.constant 17 : i32
    %add3A_635 = arith.addi %mul3A_18, %add3A_634 : i32
    %mul3A_636 = arith.constant 512 : i32
    %mul3A_637 = arith.muli %add3A_635, %mul3A_636 : i32
    %add3A_638 = arith.addi %mul3A_637, %sub3A_61 : i32
    %mul3A_639 = arith.constant 64 : i32
    %mul3A_640 = arith.muli %select_n3A_58, %mul3A_639 : i32
    %dma_wait3A_641 = tpu.memref_slice %arg4[%add3A_638, %mul3A_640] : memref<102400x128xf32, #tpu.memory_space<hbm>> -> memref<256x64xf32, #tpu.memory_space<hbm>>
    %dma_wait3A_642 = tpu.memref_slice %arg4[%add3A_638, %mul3A_640] : memref<102400x128xf32, #tpu.memory_space<hbm>> -> memref<256x64xf32, #tpu.memory_space<hbm>>
    tpu.wait_dma2 semaphore(%arg11 : memref<!tpu.dma_semaphore, #tpu.memory_space<semaphore_mem>>) src(%arg7 : memref<256x64xf32, #tpu.memory_space<vmem>>) dst(%dma_wait3A_642 : memref<256x64xf32, #tpu.memory_space<hbm>>)
    %dma_start3A_643 = arith.constant 19 : i32
    %dma_start3A_644 = arith.constant 0 : i32
    %dma_start3A_645 = tpu.memref_slice %arg5[%dma_start3A_643, %dma_start3A_644] : memref<25x256xi32, #tpu.memory_space<vmem>> -> memref<1x256xi32, #tpu.memory_space<vmem>>
    %dma_start3A_646 = tpu.memref_squeeze %dma_start3A_645 : memref<1x256xi32, #tpu.memory_space<vmem>> -> memref<256xi32, #tpu.memory_space<vmem>>
    %dma_start3A_647 = arith.constant 0 : i32
    %dma_start3A_648 = arith.constant 0 : i32
    %dma_start3A_649 = tpu.memref_slice %arg2[%dma_start3A_647, %dma_start3A_648] : memref<100000x64xf32, #tpu.memory_space<hbm>> -> memref<100000x64xf32, #tpu.memory_space<hbm>>
    tpu.enqueue_indirect_dma source(%dma_start3A_649 : memref<100000x64xf32, #tpu.memory_space<hbm>>) target(%arg7 : memref<256x64xf32, #tpu.memory_space<vmem>>) offsets(%dma_start3A_646 : memref<256xi32, #tpu.memory_space<vmem>>) semaphore(%arg9 : memref<!tpu.dma_semaphore, #tpu.memory_space<semaphore_mem>>)
    %dma_wait3A_650 = arith.constant 18 : i32
    %dma_wait3A_651 = arith.constant 0 : i32
    %dma_wait3A_652 = tpu.memref_slice %arg5[%dma_wait3A_650, %dma_wait3A_651] : memref<25x256xi32, #tpu.memory_space<vmem>> -> memref<1x256xi32, #tpu.memory_space<vmem>>
    %dma_wait3A_653 = tpu.memref_squeeze %dma_wait3A_652 : memref<1x256xi32, #tpu.memory_space<vmem>> -> memref<256xi32, #tpu.memory_space<vmem>>
    %dma_wait3A_654 = arith.constant 0 : i32
    %dma_wait3A_655 = arith.constant 0 : i32
    %dma_wait3A_656 = tpu.memref_slice %arg2[%dma_wait3A_654, %dma_wait3A_655] : memref<100000x64xf32, #tpu.memory_space<hbm>> -> memref<100000x64xf32, #tpu.memory_space<hbm>>
    tpu.wait_indirect_dma semaphore(%arg8 : memref<!tpu.dma_semaphore, #tpu.memory_space<semaphore_mem>>) src(%dma_wait3A_656 : memref<100000x64xf32, #tpu.memory_space<hbm>>) dst(%arg6 : memref<256x64xf32, #tpu.memory_space<vmem>>)
    %add3A_657 = arith.constant 18 : i32
    %add3A_658 = arith.addi %mul3A_18, %add3A_657 : i32
    %mul3A_659 = arith.constant 512 : i32
    %mul3A_660 = arith.muli %add3A_658, %mul3A_659 : i32
    %add3A_661 = arith.addi %mul3A_660, %sub3A_61 : i32
    %mul3A_662 = arith.constant 64 : i32
    %mul3A_663 = arith.muli %select_n3A_58, %mul3A_662 : i32
    %dma_start3A_664 = tpu.memref_slice %arg4[%add3A_661, %mul3A_663] : memref<102400x128xf32, #tpu.memory_space<hbm>> -> memref<256x64xf32, #tpu.memory_space<hbm>>
    %dma_start3A_665 = tpu.memref_slice %arg4[%add3A_661, %mul3A_663] : memref<102400x128xf32, #tpu.memory_space<hbm>> -> memref<256x64xf32, #tpu.memory_space<hbm>>
    tpu.enqueue_dma source(%arg6 : memref<256x64xf32, #tpu.memory_space<vmem>>) target(%dma_start3A_665 : memref<256x64xf32, #tpu.memory_space<hbm>>) target_semaphore(%arg10 : memref<!tpu.dma_semaphore, #tpu.memory_space<semaphore_mem>>)
    %add3A_666 = arith.constant 18 : i32
    %add3A_667 = arith.addi %mul3A_18, %add3A_666 : i32
    %mul3A_668 = arith.constant 512 : i32
    %mul3A_669 = arith.muli %add3A_667, %mul3A_668 : i32
    %add3A_670 = arith.addi %mul3A_669, %sub3A_61 : i32
    %mul3A_671 = arith.constant 64 : i32
    %mul3A_672 = arith.muli %select_n3A_58, %mul3A_671 : i32
    %dma_wait3A_673 = tpu.memref_slice %arg4[%add3A_670, %mul3A_672] : memref<102400x128xf32, #tpu.memory_space<hbm>> -> memref<256x64xf32, #tpu.memory_space<hbm>>
    %dma_wait3A_674 = tpu.memref_slice %arg4[%add3A_670, %mul3A_672] : memref<102400x128xf32, #tpu.memory_space<hbm>> -> memref<256x64xf32, #tpu.memory_space<hbm>>
    tpu.wait_dma2 semaphore(%arg10 : memref<!tpu.dma_semaphore, #tpu.memory_space<semaphore_mem>>) src(%arg6 : memref<256x64xf32, #tpu.memory_space<vmem>>) dst(%dma_wait3A_674 : memref<256x64xf32, #tpu.memory_space<hbm>>)
    %dma_start3A_675 = arith.constant 20 : i32
    %dma_start3A_676 = arith.constant 0 : i32
    %dma_start3A_677 = tpu.memref_slice %arg5[%dma_start3A_675, %dma_start3A_676] : memref<25x256xi32, #tpu.memory_space<vmem>> -> memref<1x256xi32, #tpu.memory_space<vmem>>
    %dma_start3A_678 = tpu.memref_squeeze %dma_start3A_677 : memref<1x256xi32, #tpu.memory_space<vmem>> -> memref<256xi32, #tpu.memory_space<vmem>>
    %dma_start3A_679 = arith.constant 0 : i32
    %dma_start3A_680 = arith.constant 0 : i32
    %dma_start3A_681 = tpu.memref_slice %arg2[%dma_start3A_679, %dma_start3A_680] : memref<100000x64xf32, #tpu.memory_space<hbm>> -> memref<100000x64xf32, #tpu.memory_space<hbm>>
    tpu.enqueue_indirect_dma source(%dma_start3A_681 : memref<100000x64xf32, #tpu.memory_space<hbm>>) target(%arg6 : memref<256x64xf32, #tpu.memory_space<vmem>>) offsets(%dma_start3A_678 : memref<256xi32, #tpu.memory_space<vmem>>) semaphore(%arg8 : memref<!tpu.dma_semaphore, #tpu.memory_space<semaphore_mem>>)
    %dma_wait3A_682 = arith.constant 19 : i32
    %dma_wait3A_683 = arith.constant 0 : i32
    %dma_wait3A_684 = tpu.memref_slice %arg5[%dma_wait3A_682, %dma_wait3A_683] : memref<25x256xi32, #tpu.memory_space<vmem>> -> memref<1x256xi32, #tpu.memory_space<vmem>>
    %dma_wait3A_685 = tpu.memref_squeeze %dma_wait3A_684 : memref<1x256xi32, #tpu.memory_space<vmem>> -> memref<256xi32, #tpu.memory_space<vmem>>
    %dma_wait3A_686 = arith.constant 0 : i32
    %dma_wait3A_687 = arith.constant 0 : i32
    %dma_wait3A_688 = tpu.memref_slice %arg2[%dma_wait3A_686, %dma_wait3A_687] : memref<100000x64xf32, #tpu.memory_space<hbm>> -> memref<100000x64xf32, #tpu.memory_space<hbm>>
    tpu.wait_indirect_dma semaphore(%arg9 : memref<!tpu.dma_semaphore, #tpu.memory_space<semaphore_mem>>) src(%dma_wait3A_688 : memref<100000x64xf32, #tpu.memory_space<hbm>>) dst(%arg7 : memref<256x64xf32, #tpu.memory_space<vmem>>)
    %add3A_689 = arith.constant 19 : i32
    %add3A_690 = arith.addi %mul3A_18, %add3A_689 : i32
    %mul3A_691 = arith.constant 512 : i32
    %mul3A_692 = arith.muli %add3A_690, %mul3A_691 : i32
    %add3A_693 = arith.addi %mul3A_692, %sub3A_61 : i32
    %mul3A_694 = arith.constant 64 : i32
    %mul3A_695 = arith.muli %select_n3A_58, %mul3A_694 : i32
    %dma_start3A_696 = tpu.memref_slice %arg4[%add3A_693, %mul3A_695] : memref<102400x128xf32, #tpu.memory_space<hbm>> -> memref<256x64xf32, #tpu.memory_space<hbm>>
    %dma_start3A_697 = tpu.memref_slice %arg4[%add3A_693, %mul3A_695] : memref<102400x128xf32, #tpu.memory_space<hbm>> -> memref<256x64xf32, #tpu.memory_space<hbm>>
    tpu.enqueue_dma source(%arg7 : memref<256x64xf32, #tpu.memory_space<vmem>>) target(%dma_start3A_697 : memref<256x64xf32, #tpu.memory_space<hbm>>) target_semaphore(%arg11 : memref<!tpu.dma_semaphore, #tpu.memory_space<semaphore_mem>>)
    %add3A_698 = arith.constant 19 : i32
    %add3A_699 = arith.addi %mul3A_18, %add3A_698 : i32
    %mul3A_700 = arith.constant 512 : i32
    %mul3A_701 = arith.muli %add3A_699, %mul3A_700 : i32
    %add3A_702 = arith.addi %mul3A_701, %sub3A_61 : i32
    %mul3A_703 = arith.constant 64 : i32
    %mul3A_704 = arith.muli %select_n3A_58, %mul3A_703 : i32
    %dma_wait3A_705 = tpu.memref_slice %arg4[%add3A_702, %mul3A_704] : memref<102400x128xf32, #tpu.memory_space<hbm>> -> memref<256x64xf32, #tpu.memory_space<hbm>>
    %dma_wait3A_706 = tpu.memref_slice %arg4[%add3A_702, %mul3A_704] : memref<102400x128xf32, #tpu.memory_space<hbm>> -> memref<256x64xf32, #tpu.memory_space<hbm>>
    tpu.wait_dma2 semaphore(%arg11 : memref<!tpu.dma_semaphore, #tpu.memory_space<semaphore_mem>>) src(%arg7 : memref<256x64xf32, #tpu.memory_space<vmem>>) dst(%dma_wait3A_706 : memref<256x64xf32, #tpu.memory_space<hbm>>)
    %dma_start3A_707 = arith.constant 21 : i32
    %dma_start3A_708 = arith.constant 0 : i32
    %dma_start3A_709 = tpu.memref_slice %arg5[%dma_start3A_707, %dma_start3A_708] : memref<25x256xi32, #tpu.memory_space<vmem>> -> memref<1x256xi32, #tpu.memory_space<vmem>>
    %dma_start3A_710 = tpu.memref_squeeze %dma_start3A_709 : memref<1x256xi32, #tpu.memory_space<vmem>> -> memref<256xi32, #tpu.memory_space<vmem>>
    %dma_start3A_711 = arith.constant 0 : i32
    %dma_start3A_712 = arith.constant 0 : i32
    %dma_start3A_713 = tpu.memref_slice %arg2[%dma_start3A_711, %dma_start3A_712] : memref<100000x64xf32, #tpu.memory_space<hbm>> -> memref<100000x64xf32, #tpu.memory_space<hbm>>
    tpu.enqueue_indirect_dma source(%dma_start3A_713 : memref<100000x64xf32, #tpu.memory_space<hbm>>) target(%arg7 : memref<256x64xf32, #tpu.memory_space<vmem>>) offsets(%dma_start3A_710 : memref<256xi32, #tpu.memory_space<vmem>>) semaphore(%arg9 : memref<!tpu.dma_semaphore, #tpu.memory_space<semaphore_mem>>)
    %dma_wait3A_714 = arith.constant 20 : i32
    %dma_wait3A_715 = arith.constant 0 : i32
    %dma_wait3A_716 = tpu.memref_slice %arg5[%dma_wait3A_714, %dma_wait3A_715] : memref<25x256xi32, #tpu.memory_space<vmem>> -> memref<1x256xi32, #tpu.memory_space<vmem>>
    %dma_wait3A_717 = tpu.memref_squeeze %dma_wait3A_716 : memref<1x256xi32, #tpu.memory_space<vmem>> -> memref<256xi32, #tpu.memory_space<vmem>>
    %dma_wait3A_718 = arith.constant 0 : i32
    %dma_wait3A_719 = arith.constant 0 : i32
    %dma_wait3A_720 = tpu.memref_slice %arg2[%dma_wait3A_718, %dma_wait3A_719] : memref<100000x64xf32, #tpu.memory_space<hbm>> -> memref<100000x64xf32, #tpu.memory_space<hbm>>
    tpu.wait_indirect_dma semaphore(%arg8 : memref<!tpu.dma_semaphore, #tpu.memory_space<semaphore_mem>>) src(%dma_wait3A_720 : memref<100000x64xf32, #tpu.memory_space<hbm>>) dst(%arg6 : memref<256x64xf32, #tpu.memory_space<vmem>>)
    %add3A_721 = arith.constant 20 : i32
    %add3A_722 = arith.addi %mul3A_18, %add3A_721 : i32
    %mul3A_723 = arith.constant 512 : i32
    %mul3A_724 = arith.muli %add3A_722, %mul3A_723 : i32
    %add3A_725 = arith.addi %mul3A_724, %sub3A_61 : i32
    %mul3A_726 = arith.constant 64 : i32
    %mul3A_727 = arith.muli %select_n3A_58, %mul3A_726 : i32
    %dma_start3A_728 = tpu.memref_slice %arg4[%add3A_725, %mul3A_727] : memref<102400x128xf32, #tpu.memory_space<hbm>> -> memref<256x64xf32, #tpu.memory_space<hbm>>
    %dma_start3A_729 = tpu.memref_slice %arg4[%add3A_725, %mul3A_727] : memref<102400x128xf32, #tpu.memory_space<hbm>> -> memref<256x64xf32, #tpu.memory_space<hbm>>
    tpu.enqueue_dma source(%arg6 : memref<256x64xf32, #tpu.memory_space<vmem>>) target(%dma_start3A_729 : memref<256x64xf32, #tpu.memory_space<hbm>>) target_semaphore(%arg10 : memref<!tpu.dma_semaphore, #tpu.memory_space<semaphore_mem>>)
    %add3A_730 = arith.constant 20 : i32
    %add3A_731 = arith.addi %mul3A_18, %add3A_730 : i32
    %mul3A_732 = arith.constant 512 : i32
    %mul3A_733 = arith.muli %add3A_731, %mul3A_732 : i32
    %add3A_734 = arith.addi %mul3A_733, %sub3A_61 : i32
    %mul3A_735 = arith.constant 64 : i32
    %mul3A_736 = arith.muli %select_n3A_58, %mul3A_735 : i32
    %dma_wait3A_737 = tpu.memref_slice %arg4[%add3A_734, %mul3A_736] : memref<102400x128xf32, #tpu.memory_space<hbm>> -> memref<256x64xf32, #tpu.memory_space<hbm>>
    %dma_wait3A_738 = tpu.memref_slice %arg4[%add3A_734, %mul3A_736] : memref<102400x128xf32, #tpu.memory_space<hbm>> -> memref<256x64xf32, #tpu.memory_space<hbm>>
    tpu.wait_dma2 semaphore(%arg10 : memref<!tpu.dma_semaphore, #tpu.memory_space<semaphore_mem>>) src(%arg6 : memref<256x64xf32, #tpu.memory_space<vmem>>) dst(%dma_wait3A_738 : memref<256x64xf32, #tpu.memory_space<hbm>>)
    %dma_start3A_739 = arith.constant 22 : i32
    %dma_start3A_740 = arith.constant 0 : i32
    %dma_start3A_741 = tpu.memref_slice %arg5[%dma_start3A_739, %dma_start3A_740] : memref<25x256xi32, #tpu.memory_space<vmem>> -> memref<1x256xi32, #tpu.memory_space<vmem>>
    %dma_start3A_742 = tpu.memref_squeeze %dma_start3A_741 : memref<1x256xi32, #tpu.memory_space<vmem>> -> memref<256xi32, #tpu.memory_space<vmem>>
    %dma_start3A_743 = arith.constant 0 : i32
    %dma_start3A_744 = arith.constant 0 : i32
    %dma_start3A_745 = tpu.memref_slice %arg2[%dma_start3A_743, %dma_start3A_744] : memref<100000x64xf32, #tpu.memory_space<hbm>> -> memref<100000x64xf32, #tpu.memory_space<hbm>>
    tpu.enqueue_indirect_dma source(%dma_start3A_745 : memref<100000x64xf32, #tpu.memory_space<hbm>>) target(%arg6 : memref<256x64xf32, #tpu.memory_space<vmem>>) offsets(%dma_start3A_742 : memref<256xi32, #tpu.memory_space<vmem>>) semaphore(%arg8 : memref<!tpu.dma_semaphore, #tpu.memory_space<semaphore_mem>>)
    %dma_wait3A_746 = arith.constant 21 : i32
    %dma_wait3A_747 = arith.constant 0 : i32
    %dma_wait3A_748 = tpu.memref_slice %arg5[%dma_wait3A_746, %dma_wait3A_747] : memref<25x256xi32, #tpu.memory_space<vmem>> -> memref<1x256xi32, #tpu.memory_space<vmem>>
    %dma_wait3A_749 = tpu.memref_squeeze %dma_wait3A_748 : memref<1x256xi32, #tpu.memory_space<vmem>> -> memref<256xi32, #tpu.memory_space<vmem>>
    %dma_wait3A_750 = arith.constant 0 : i32
    %dma_wait3A_751 = arith.constant 0 : i32
    %dma_wait3A_752 = tpu.memref_slice %arg2[%dma_wait3A_750, %dma_wait3A_751] : memref<100000x64xf32, #tpu.memory_space<hbm>> -> memref<100000x64xf32, #tpu.memory_space<hbm>>
    tpu.wait_indirect_dma semaphore(%arg9 : memref<!tpu.dma_semaphore, #tpu.memory_space<semaphore_mem>>) src(%dma_wait3A_752 : memref<100000x64xf32, #tpu.memory_space<hbm>>) dst(%arg7 : memref<256x64xf32, #tpu.memory_space<vmem>>)
    %add3A_753 = arith.constant 21 : i32
    %add3A_754 = arith.addi %mul3A_18, %add3A_753 : i32
    %mul3A_755 = arith.constant 512 : i32
    %mul3A_756 = arith.muli %add3A_754, %mul3A_755 : i32
    %add3A_757 = arith.addi %mul3A_756, %sub3A_61 : i32
    %mul3A_758 = arith.constant 64 : i32
    %mul3A_759 = arith.muli %select_n3A_58, %mul3A_758 : i32
    %dma_start3A_760 = tpu.memref_slice %arg4[%add3A_757, %mul3A_759] : memref<102400x128xf32, #tpu.memory_space<hbm>> -> memref<256x64xf32, #tpu.memory_space<hbm>>
    %dma_start3A_761 = tpu.memref_slice %arg4[%add3A_757, %mul3A_759] : memref<102400x128xf32, #tpu.memory_space<hbm>> -> memref<256x64xf32, #tpu.memory_space<hbm>>
    tpu.enqueue_dma source(%arg7 : memref<256x64xf32, #tpu.memory_space<vmem>>) target(%dma_start3A_761 : memref<256x64xf32, #tpu.memory_space<hbm>>) target_semaphore(%arg11 : memref<!tpu.dma_semaphore, #tpu.memory_space<semaphore_mem>>)
    %add3A_762 = arith.constant 21 : i32
    %add3A_763 = arith.addi %mul3A_18, %add3A_762 : i32
    %mul3A_764 = arith.constant 512 : i32
    %mul3A_765 = arith.muli %add3A_763, %mul3A_764 : i32
    %add3A_766 = arith.addi %mul3A_765, %sub3A_61 : i32
    %mul3A_767 = arith.constant 64 : i32
    %mul3A_768 = arith.muli %select_n3A_58, %mul3A_767 : i32
    %dma_wait3A_769 = tpu.memref_slice %arg4[%add3A_766, %mul3A_768] : memref<102400x128xf32, #tpu.memory_space<hbm>> -> memref<256x64xf32, #tpu.memory_space<hbm>>
    %dma_wait3A_770 = tpu.memref_slice %arg4[%add3A_766, %mul3A_768] : memref<102400x128xf32, #tpu.memory_space<hbm>> -> memref<256x64xf32, #tpu.memory_space<hbm>>
    tpu.wait_dma2 semaphore(%arg11 : memref<!tpu.dma_semaphore, #tpu.memory_space<semaphore_mem>>) src(%arg7 : memref<256x64xf32, #tpu.memory_space<vmem>>) dst(%dma_wait3A_770 : memref<256x64xf32, #tpu.memory_space<hbm>>)
    %dma_start3A_771 = arith.constant 23 : i32
    %dma_start3A_772 = arith.constant 0 : i32
    %dma_start3A_773 = tpu.memref_slice %arg5[%dma_start3A_771, %dma_start3A_772] : memref<25x256xi32, #tpu.memory_space<vmem>> -> memref<1x256xi32, #tpu.memory_space<vmem>>
    %dma_start3A_774 = tpu.memref_squeeze %dma_start3A_773 : memref<1x256xi32, #tpu.memory_space<vmem>> -> memref<256xi32, #tpu.memory_space<vmem>>
    %dma_start3A_775 = arith.constant 0 : i32
    %dma_start3A_776 = arith.constant 0 : i32
    %dma_start3A_777 = tpu.memref_slice %arg2[%dma_start3A_775, %dma_start3A_776] : memref<100000x64xf32, #tpu.memory_space<hbm>> -> memref<100000x64xf32, #tpu.memory_space<hbm>>
    tpu.enqueue_indirect_dma source(%dma_start3A_777 : memref<100000x64xf32, #tpu.memory_space<hbm>>) target(%arg7 : memref<256x64xf32, #tpu.memory_space<vmem>>) offsets(%dma_start3A_774 : memref<256xi32, #tpu.memory_space<vmem>>) semaphore(%arg9 : memref<!tpu.dma_semaphore, #tpu.memory_space<semaphore_mem>>)
    %dma_wait3A_778 = arith.constant 22 : i32
    %dma_wait3A_779 = arith.constant 0 : i32
    %dma_wait3A_780 = tpu.memref_slice %arg5[%dma_wait3A_778, %dma_wait3A_779] : memref<25x256xi32, #tpu.memory_space<vmem>> -> memref<1x256xi32, #tpu.memory_space<vmem>>
    %dma_wait3A_781 = tpu.memref_squeeze %dma_wait3A_780 : memref<1x256xi32, #tpu.memory_space<vmem>> -> memref<256xi32, #tpu.memory_space<vmem>>
    %dma_wait3A_782 = arith.constant 0 : i32
    %dma_wait3A_783 = arith.constant 0 : i32
    %dma_wait3A_784 = tpu.memref_slice %arg2[%dma_wait3A_782, %dma_wait3A_783] : memref<100000x64xf32, #tpu.memory_space<hbm>> -> memref<100000x64xf32, #tpu.memory_space<hbm>>
    tpu.wait_indirect_dma semaphore(%arg8 : memref<!tpu.dma_semaphore, #tpu.memory_space<semaphore_mem>>) src(%dma_wait3A_784 : memref<100000x64xf32, #tpu.memory_space<hbm>>) dst(%arg6 : memref<256x64xf32, #tpu.memory_space<vmem>>)
    %add3A_785 = arith.constant 22 : i32
    %add3A_786 = arith.addi %mul3A_18, %add3A_785 : i32
    %mul3A_787 = arith.constant 512 : i32
    %mul3A_788 = arith.muli %add3A_786, %mul3A_787 : i32
    %add3A_789 = arith.addi %mul3A_788, %sub3A_61 : i32
    %mul3A_790 = arith.constant 64 : i32
    %mul3A_791 = arith.muli %select_n3A_58, %mul3A_790 : i32
    %dma_start3A_792 = tpu.memref_slice %arg4[%add3A_789, %mul3A_791] : memref<102400x128xf32, #tpu.memory_space<hbm>> -> memref<256x64xf32, #tpu.memory_space<hbm>>
    %dma_start3A_793 = tpu.memref_slice %arg4[%add3A_789, %mul3A_791] : memref<102400x128xf32, #tpu.memory_space<hbm>> -> memref<256x64xf32, #tpu.memory_space<hbm>>
    tpu.enqueue_dma source(%arg6 : memref<256x64xf32, #tpu.memory_space<vmem>>) target(%dma_start3A_793 : memref<256x64xf32, #tpu.memory_space<hbm>>) target_semaphore(%arg10 : memref<!tpu.dma_semaphore, #tpu.memory_space<semaphore_mem>>)
    %add3A_794 = arith.constant 22 : i32
    %add3A_795 = arith.addi %mul3A_18, %add3A_794 : i32
    %mul3A_796 = arith.constant 512 : i32
    %mul3A_797 = arith.muli %add3A_795, %mul3A_796 : i32
    %add3A_798 = arith.addi %mul3A_797, %sub3A_61 : i32
    %mul3A_799 = arith.constant 64 : i32
    %mul3A_800 = arith.muli %select_n3A_58, %mul3A_799 : i32
    %dma_wait3A_801 = tpu.memref_slice %arg4[%add3A_798, %mul3A_800] : memref<102400x128xf32, #tpu.memory_space<hbm>> -> memref<256x64xf32, #tpu.memory_space<hbm>>
    %dma_wait3A_802 = tpu.memref_slice %arg4[%add3A_798, %mul3A_800] : memref<102400x128xf32, #tpu.memory_space<hbm>> -> memref<256x64xf32, #tpu.memory_space<hbm>>
    tpu.wait_dma2 semaphore(%arg10 : memref<!tpu.dma_semaphore, #tpu.memory_space<semaphore_mem>>) src(%arg6 : memref<256x64xf32, #tpu.memory_space<vmem>>) dst(%dma_wait3A_802 : memref<256x64xf32, #tpu.memory_space<hbm>>)
    %dma_start3A_803 = arith.constant 24 : i32
    %dma_start3A_804 = arith.constant 0 : i32
    %dma_start3A_805 = tpu.memref_slice %arg5[%dma_start3A_803, %dma_start3A_804] : memref<25x256xi32, #tpu.memory_space<vmem>> -> memref<1x256xi32, #tpu.memory_space<vmem>>
    %dma_start3A_806 = tpu.memref_squeeze %dma_start3A_805 : memref<1x256xi32, #tpu.memory_space<vmem>> -> memref<256xi32, #tpu.memory_space<vmem>>
    %dma_start3A_807 = arith.constant 0 : i32
    %dma_start3A_808 = arith.constant 0 : i32
    %dma_start3A_809 = tpu.memref_slice %arg2[%dma_start3A_807, %dma_start3A_808] : memref<100000x64xf32, #tpu.memory_space<hbm>> -> memref<100000x64xf32, #tpu.memory_space<hbm>>
    tpu.enqueue_indirect_dma source(%dma_start3A_809 : memref<100000x64xf32, #tpu.memory_space<hbm>>) target(%arg6 : memref<256x64xf32, #tpu.memory_space<vmem>>) offsets(%dma_start3A_806 : memref<256xi32, #tpu.memory_space<vmem>>) semaphore(%arg8 : memref<!tpu.dma_semaphore, #tpu.memory_space<semaphore_mem>>)
    %dma_wait3A_810 = arith.constant 23 : i32
    %dma_wait3A_811 = arith.constant 0 : i32
    %dma_wait3A_812 = tpu.memref_slice %arg5[%dma_wait3A_810, %dma_wait3A_811] : memref<25x256xi32, #tpu.memory_space<vmem>> -> memref<1x256xi32, #tpu.memory_space<vmem>>
    %dma_wait3A_813 = tpu.memref_squeeze %dma_wait3A_812 : memref<1x256xi32, #tpu.memory_space<vmem>> -> memref<256xi32, #tpu.memory_space<vmem>>
    %dma_wait3A_814 = arith.constant 0 : i32
    %dma_wait3A_815 = arith.constant 0 : i32
    %dma_wait3A_816 = tpu.memref_slice %arg2[%dma_wait3A_814, %dma_wait3A_815] : memref<100000x64xf32, #tpu.memory_space<hbm>> -> memref<100000x64xf32, #tpu.memory_space<hbm>>
    tpu.wait_indirect_dma semaphore(%arg9 : memref<!tpu.dma_semaphore, #tpu.memory_space<semaphore_mem>>) src(%dma_wait3A_816 : memref<100000x64xf32, #tpu.memory_space<hbm>>) dst(%arg7 : memref<256x64xf32, #tpu.memory_space<vmem>>)
    %add3A_817 = arith.constant 23 : i32
    %add3A_818 = arith.addi %mul3A_18, %add3A_817 : i32
    %mul3A_819 = arith.constant 512 : i32
    %mul3A_820 = arith.muli %add3A_818, %mul3A_819 : i32
    %add3A_821 = arith.addi %mul3A_820, %sub3A_61 : i32
    %mul3A_822 = arith.constant 64 : i32
    %mul3A_823 = arith.muli %select_n3A_58, %mul3A_822 : i32
    %dma_start3A_824 = tpu.memref_slice %arg4[%add3A_821, %mul3A_823] : memref<102400x128xf32, #tpu.memory_space<hbm>> -> memref<256x64xf32, #tpu.memory_space<hbm>>
    %dma_start3A_825 = tpu.memref_slice %arg4[%add3A_821, %mul3A_823] : memref<102400x128xf32, #tpu.memory_space<hbm>> -> memref<256x64xf32, #tpu.memory_space<hbm>>
    tpu.enqueue_dma source(%arg7 : memref<256x64xf32, #tpu.memory_space<vmem>>) target(%dma_start3A_825 : memref<256x64xf32, #tpu.memory_space<hbm>>) target_semaphore(%arg11 : memref<!tpu.dma_semaphore, #tpu.memory_space<semaphore_mem>>)
    %dma_wait3A_826 = arith.constant 24 : i32
    %dma_wait3A_827 = arith.constant 0 : i32
    %dma_wait3A_828 = tpu.memref_slice %arg5[%dma_wait3A_826, %dma_wait3A_827] : memref<25x256xi32, #tpu.memory_space<vmem>> -> memref<1x256xi32, #tpu.memory_space<vmem>>
    %dma_wait3A_829 = tpu.memref_squeeze %dma_wait3A_828 : memref<1x256xi32, #tpu.memory_space<vmem>> -> memref<256xi32, #tpu.memory_space<vmem>>
    %dma_wait3A_830 = arith.constant 0 : i32
    %dma_wait3A_831 = arith.constant 0 : i32
    %dma_wait3A_832 = tpu.memref_slice %arg2[%dma_wait3A_830, %dma_wait3A_831] : memref<100000x64xf32, #tpu.memory_space<hbm>> -> memref<100000x64xf32, #tpu.memory_space<hbm>>
    tpu.wait_indirect_dma semaphore(%arg8 : memref<!tpu.dma_semaphore, #tpu.memory_space<semaphore_mem>>) src(%dma_wait3A_832 : memref<100000x64xf32, #tpu.memory_space<hbm>>) dst(%arg6 : memref<256x64xf32, #tpu.memory_space<vmem>>)
    %add3A_833 = arith.constant 24 : i32
    %add3A_834 = arith.addi %mul3A_18, %add3A_833 : i32
    %mul3A_835 = arith.constant 512 : i32
    %mul3A_836 = arith.muli %add3A_834, %mul3A_835 : i32
    %add3A_837 = arith.addi %mul3A_836, %sub3A_61 : i32
    %mul3A_838 = arith.constant 64 : i32
    %mul3A_839 = arith.muli %select_n3A_58, %mul3A_838 : i32
    %dma_start3A_840 = tpu.memref_slice %arg4[%add3A_837, %mul3A_839] : memref<102400x128xf32, #tpu.memory_space<hbm>> -> memref<256x64xf32, #tpu.memory_space<hbm>>
    %dma_start3A_841 = tpu.memref_slice %arg4[%add3A_837, %mul3A_839] : memref<102400x128xf32, #tpu.memory_space<hbm>> -> memref<256x64xf32, #tpu.memory_space<hbm>>
    tpu.enqueue_dma source(%arg6 : memref<256x64xf32, #tpu.memory_space<vmem>>) target(%dma_start3A_841 : memref<256x64xf32, #tpu.memory_space<hbm>>) target_semaphore(%arg10 : memref<!tpu.dma_semaphore, #tpu.memory_space<semaphore_mem>>)
    %add3A_842 = arith.constant 23 : i32
    %add3A_843 = arith.addi %mul3A_18, %add3A_842 : i32
    %mul3A_844 = arith.constant 512 : i32
    %mul3A_845 = arith.muli %add3A_843, %mul3A_844 : i32
    %add3A_846 = arith.addi %mul3A_845, %sub3A_61 : i32
    %mul3A_847 = arith.constant 64 : i32
    %mul3A_848 = arith.muli %select_n3A_58, %mul3A_847 : i32
    %dma_wait3A_849 = tpu.memref_slice %arg4[%add3A_846, %mul3A_848] : memref<102400x128xf32, #tpu.memory_space<hbm>> -> memref<256x64xf32, #tpu.memory_space<hbm>>
    %dma_wait3A_850 = tpu.memref_slice %arg4[%add3A_846, %mul3A_848] : memref<102400x128xf32, #tpu.memory_space<hbm>> -> memref<256x64xf32, #tpu.memory_space<hbm>>
    tpu.wait_dma2 semaphore(%arg11 : memref<!tpu.dma_semaphore, #tpu.memory_space<semaphore_mem>>) src(%arg7 : memref<256x64xf32, #tpu.memory_space<vmem>>) dst(%dma_wait3A_850 : memref<256x64xf32, #tpu.memory_space<hbm>>)
    %add3A_851 = arith.constant 24 : i32
    %add3A_852 = arith.addi %mul3A_18, %add3A_851 : i32
    %mul3A_853 = arith.constant 512 : i32
    %mul3A_854 = arith.muli %add3A_852, %mul3A_853 : i32
    %add3A_855 = arith.addi %mul3A_854, %sub3A_61 : i32
    %mul3A_856 = arith.constant 64 : i32
    %mul3A_857 = arith.muli %select_n3A_58, %mul3A_856 : i32
    %dma_wait3A_858 = tpu.memref_slice %arg4[%add3A_855, %mul3A_857] : memref<102400x128xf32, #tpu.memory_space<hbm>> -> memref<256x64xf32, #tpu.memory_space<hbm>>
    %dma_wait3A_859 = tpu.memref_slice %arg4[%add3A_855, %mul3A_857] : memref<102400x128xf32, #tpu.memory_space<hbm>> -> memref<256x64xf32, #tpu.memory_space<hbm>>
    tpu.wait_dma2 semaphore(%arg10 : memref<!tpu.dma_semaphore, #tpu.memory_space<semaphore_mem>>) src(%arg6 : memref<256x64xf32, #tpu.memory_space<vmem>>) dst(%dma_wait3A_859 : memref<256x64xf32, #tpu.memory_space<hbm>>)
    return
  }
}

module attributes {stable_mosaic.version = 14 : i64} {
  func.func @trans_k(%arg0: i32, %arg1: memref<4096x128xf32, #tpu.memory_space<vmem>>, %arg2: memref<8x8x8x8x128xf32, #tpu.memory_space<vmem>>) attributes {dimension_semantics = [#tpu.dimension_semantics<arbitrary>], iteration_bounds = array<i64: 25>, scalar_prefetch = 0 : i64, scratch_operands = 0 : i64, tpu.core_type = #tpu.core_type<tc>, window_params = [{transform_indices = @transform_0, window_bounds = array<i64: 4096, 128>}, {transform_indices = @transform_1, window_bounds = array<i64: 8, 8, 8, 8, 128>}]} {
    %get3A = arith.constant 0 : index
    %get3A_0 = arith.constant 0 : index
    %get3A_1 = vector.load %arg1[%get3A, %get3A_0] : memref<4096x128xf32, #tpu.memory_space<vmem>>, vector<512x128xf32>
    %slice3A = vector.extract_strided_slice %get3A_1 {offsets = [0, 0], sizes = [512, 64], strides = [1, 1]} : vector<512x128xf32> to vector<512x64xf32>
    %transpose3A = tpu.transpose %slice3A, [1, 0] : vector<512x64xf32> -> vector<64x512xf32>
    %mul3A = arith.constant 8.000000e+00 : f32
    %mul3A_2 = vector.broadcast %mul3A : f32 to vector<64x512xf32>
    %mul3A_3 = arith.mulf %transpose3A, %mul3A_2 : vector<64x512xf32>
    %slice3A_4 = vector.extract_strided_slice %get3A_1 {offsets = [0, 64], sizes = [512, 64], strides = [1, 1]} : vector<512x128xf32> to vector<512x64xf32>
    %transpose3A_5 = tpu.transpose %slice3A_4, [1, 0] : vector<512x64xf32> -> vector<64x512xf32>
    %mul3A_6 = arith.constant 8.000000e+00 : f32
    %mul3A_7 = vector.broadcast %mul3A_6 : f32 to vector<64x512xf32>
    %mul3A_8 = arith.mulf %transpose3A_5, %mul3A_7 : vector<64x512xf32>
    %concatenate3A = tpu.concatenate %mul3A_3, %mul3A_8 in 1 : vector<64x512xf32>, vector<64x512xf32> -> vector<64x1024xf32>
    %reshape3A = vector.shape_cast %concatenate3A : vector<64x1024xf32> to vector<8x8x8x128xf32>
    %transpose3A_9 = tpu.transpose %reshape3A, [0, 2, 1, 3] : vector<8x8x8x128xf32> -> vector<8x8x8x128xf32>
    %swap3A = arith.constant 0 : index
    %swap3A_10 = arith.constant 0 : index
    %swap3A_11 = arith.constant 0 : index
    %swap3A_12 = arith.constant 0 : index
    %swap3A_13 = arith.constant 0 : index
    %swap3A_14 = vector.load %arg2[%swap3A, %swap3A_10, %swap3A_11, %swap3A_12, %swap3A_13] : memref<8x8x8x8x128xf32, #tpu.memory_space<vmem>>, vector<1x8x8x8x128xf32>
    %swap3A_15 = vector.shape_cast %swap3A_14 : vector<1x8x8x8x128xf32> to vector<8x8x8x128xf32>
    %swap3A_16 = vector.shape_cast %transpose3A_9 : vector<8x8x8x128xf32> to vector<1x8x8x8x128xf32>
    tpu.vector_store %arg2[%swap3A, %swap3A_10, %swap3A_11, %swap3A_12, %swap3A_13], %swap3A_16 {strides = array<i32>} : memref<8x8x8x8x128xf32, #tpu.memory_space<vmem>>, vector<1x8x8x8x128xf32>,
    %get3A_17 = arith.constant 512 : index
    %get3A_18 = arith.constant 0 : index
    %get3A_19 = vector.load %arg1[%get3A_17, %get3A_18] : memref<4096x128xf32, #tpu.memory_space<vmem>>, vector<512x128xf32>
    %slice3A_20 = vector.extract_strided_slice %get3A_19 {offsets = [0, 0], sizes = [512, 64], strides = [1, 1]} : vector<512x128xf32> to vector<512x64xf32>
    %transpose3A_21 = tpu.transpose %slice3A_20, [1, 0] : vector<512x64xf32> -> vector<64x512xf32>
    %mul3A_22 = arith.constant 8.000000e+00 : f32
    %mul3A_23 = vector.broadcast %mul3A_22 : f32 to vector<64x512xf32>
    %mul3A_24 = arith.mulf %transpose3A_21, %mul3A_23 : vector<64x512xf32>
    %slice3A_25 = vector.extract_strided_slice %get3A_19 {offsets = [0, 64], sizes = [512, 64], strides = [1, 1]} : vector<512x128xf32> to vector<512x64xf32>
    %transpose3A_26 = tpu.transpose %slice3A_25, [1, 0] : vector<512x64xf32> -> vector<64x512xf32>
    %mul3A_27 = arith.constant 8.000000e+00 : f32
    %mul3A_28 = vector.broadcast %mul3A_27 : f32 to vector<64x512xf32>
    %mul3A_29 = arith.mulf %transpose3A_26, %mul3A_28 : vector<64x512xf32>
    %concatenate3A_30 = tpu.concatenate %mul3A_24, %mul3A_29 in 1 : vector<64x512xf32>, vector<64x512xf32> -> vector<64x1024xf32>
    %reshape3A_31 = vector.shape_cast %concatenate3A_30 : vector<64x1024xf32> to vector<8x8x8x128xf32>
    %transpose3A_32 = tpu.transpose %reshape3A_31, [0, 2, 1, 3] : vector<8x8x8x128xf32> -> vector<8x8x8x128xf32>
    %swap3A_33 = arith.constant 1 : index
    %swap3A_34 = arith.constant 0 : index
    %swap3A_35 = arith.constant 0 : index
    %swap3A_36 = arith.constant 0 : index
    %swap3A_37 = arith.constant 0 : index
    %swap3A_38 = vector.load %arg2[%swap3A_33, %swap3A_34, %swap3A_35, %swap3A_36, %swap3A_37] : memref<8x8x8x8x128xf32, #tpu.memory_space<vmem>>, vector<1x8x8x8x128xf32>
    %swap3A_39 = vector.shape_cast %swap3A_38 : vector<1x8x8x8x128xf32> to vector<8x8x8x128xf32>
    %swap3A_40 = vector.shape_cast %transpose3A_32 : vector<8x8x8x128xf32> to vector<1x8x8x8x128xf32>
    tpu.vector_store %arg2[%swap3A_33, %swap3A_34, %swap3A_35, %swap3A_36, %swap3A_37], %swap3A_40 {strides = array<i32>} : memref<8x8x8x8x128xf32, #tpu.memory_space<vmem>>, vector<1x8x8x8x128xf32>,
    %get3A_41 = arith.constant 1024 : index
    %get3A_42 = arith.constant 0 : index
    %get3A_43 = vector.load %arg1[%get3A_41, %get3A_42] : memref<4096x128xf32, #tpu.memory_space<vmem>>, vector<512x128xf32>
    %slice3A_44 = vector.extract_strided_slice %get3A_43 {offsets = [0, 0], sizes = [512, 64], strides = [1, 1]} : vector<512x128xf32> to vector<512x64xf32>
    %transpose3A_45 = tpu.transpose %slice3A_44, [1, 0] : vector<512x64xf32> -> vector<64x512xf32>
    %mul3A_46 = arith.constant 8.000000e+00 : f32
    %mul3A_47 = vector.broadcast %mul3A_46 : f32 to vector<64x512xf32>
    %mul3A_48 = arith.mulf %transpose3A_45, %mul3A_47 : vector<64x512xf32>
    %slice3A_49 = vector.extract_strided_slice %get3A_43 {offsets = [0, 64], sizes = [512, 64], strides = [1, 1]} : vector<512x128xf32> to vector<512x64xf32>
    %transpose3A_50 = tpu.transpose %slice3A_49, [1, 0] : vector<512x64xf32> -> vector<64x512xf32>
    %mul3A_51 = arith.constant 8.000000e+00 : f32
    %mul3A_52 = vector.broadcast %mul3A_51 : f32 to vector<64x512xf32>
    %mul3A_53 = arith.mulf %transpose3A_50, %mul3A_52 : vector<64x512xf32>
    %concatenate3A_54 = tpu.concatenate %mul3A_48, %mul3A_53 in 1 : vector<64x512xf32>, vector<64x512xf32> -> vector<64x1024xf32>
    %reshape3A_55 = vector.shape_cast %concatenate3A_54 : vector<64x1024xf32> to vector<8x8x8x128xf32>
    %transpose3A_56 = tpu.transpose %reshape3A_55, [0, 2, 1, 3] : vector<8x8x8x128xf32> -> vector<8x8x8x128xf32>
    %swap3A_57 = arith.constant 2 : index
    %swap3A_58 = arith.constant 0 : index
    %swap3A_59 = arith.constant 0 : index
    %swap3A_60 = arith.constant 0 : index
    %swap3A_61 = arith.constant 0 : index
    %swap3A_62 = vector.load %arg2[%swap3A_57, %swap3A_58, %swap3A_59, %swap3A_60, %swap3A_61] : memref<8x8x8x8x128xf32, #tpu.memory_space<vmem>>, vector<1x8x8x8x128xf32>
    %swap3A_63 = vector.shape_cast %swap3A_62 : vector<1x8x8x8x128xf32> to vector<8x8x8x128xf32>
    %swap3A_64 = vector.shape_cast %transpose3A_56 : vector<8x8x8x128xf32> to vector<1x8x8x8x128xf32>
    tpu.vector_store %arg2[%swap3A_57, %swap3A_58, %swap3A_59, %swap3A_60, %swap3A_61], %swap3A_64 {strides = array<i32>} : memref<8x8x8x8x128xf32, #tpu.memory_space<vmem>>, vector<1x8x8x8x128xf32>,
    %get3A_65 = arith.constant 1536 : index
    %get3A_66 = arith.constant 0 : index
    %get3A_67 = vector.load %arg1[%get3A_65, %get3A_66] : memref<4096x128xf32, #tpu.memory_space<vmem>>, vector<512x128xf32>
    %slice3A_68 = vector.extract_strided_slice %get3A_67 {offsets = [0, 0], sizes = [512, 64], strides = [1, 1]} : vector<512x128xf32> to vector<512x64xf32>
    %transpose3A_69 = tpu.transpose %slice3A_68, [1, 0] : vector<512x64xf32> -> vector<64x512xf32>
    %mul3A_70 = arith.constant 8.000000e+00 : f32
    %mul3A_71 = vector.broadcast %mul3A_70 : f32 to vector<64x512xf32>
    %mul3A_72 = arith.mulf %transpose3A_69, %mul3A_71 : vector<64x512xf32>
    %slice3A_73 = vector.extract_strided_slice %get3A_67 {offsets = [0, 64], sizes = [512, 64], strides = [1, 1]} : vector<512x128xf32> to vector<512x64xf32>
    %transpose3A_74 = tpu.transpose %slice3A_73, [1, 0] : vector<512x64xf32> -> vector<64x512xf32>
    %mul3A_75 = arith.constant 8.000000e+00 : f32
    %mul3A_76 = vector.broadcast %mul3A_75 : f32 to vector<64x512xf32>
    %mul3A_77 = arith.mulf %transpose3A_74, %mul3A_76 : vector<64x512xf32>
    %concatenate3A_78 = tpu.concatenate %mul3A_72, %mul3A_77 in 1 : vector<64x512xf32>, vector<64x512xf32> -> vector<64x1024xf32>
    %reshape3A_79 = vector.shape_cast %concatenate3A_78 : vector<64x1024xf32> to vector<8x8x8x128xf32>
    %transpose3A_80 = tpu.transpose %reshape3A_79, [0, 2, 1, 3] : vector<8x8x8x128xf32> -> vector<8x8x8x128xf32>
    %swap3A_81 = arith.constant 3 : index
    %swap3A_82 = arith.constant 0 : index
    %swap3A_83 = arith.constant 0 : index
    %swap3A_84 = arith.constant 0 : index
    %swap3A_85 = arith.constant 0 : index
    %swap3A_86 = vector.load %arg2[%swap3A_81, %swap3A_82, %swap3A_83, %swap3A_84, %swap3A_85] : memref<8x8x8x8x128xf32, #tpu.memory_space<vmem>>, vector<1x8x8x8x128xf32>
    %swap3A_87 = vector.shape_cast %swap3A_86 : vector<1x8x8x8x128xf32> to vector<8x8x8x128xf32>
    %swap3A_88 = vector.shape_cast %transpose3A_80 : vector<8x8x8x128xf32> to vector<1x8x8x8x128xf32>
    tpu.vector_store %arg2[%swap3A_81, %swap3A_82, %swap3A_83, %swap3A_84, %swap3A_85], %swap3A_88 {strides = array<i32>} : memref<8x8x8x8x128xf32, #tpu.memory_space<vmem>>, vector<1x8x8x8x128xf32>,
    %get3A_89 = arith.constant 2048 : index
    %get3A_90 = arith.constant 0 : index
    %get3A_91 = vector.load %arg1[%get3A_89, %get3A_90] : memref<4096x128xf32, #tpu.memory_space<vmem>>, vector<512x128xf32>
    %slice3A_92 = vector.extract_strided_slice %get3A_91 {offsets = [0, 0], sizes = [512, 64], strides = [1, 1]} : vector<512x128xf32> to vector<512x64xf32>
    %transpose3A_93 = tpu.transpose %slice3A_92, [1, 0] : vector<512x64xf32> -> vector<64x512xf32>
    %mul3A_94 = arith.constant 8.000000e+00 : f32
    %mul3A_95 = vector.broadcast %mul3A_94 : f32 to vector<64x512xf32>
    %mul3A_96 = arith.mulf %transpose3A_93, %mul3A_95 : vector<64x512xf32>
    %slice3A_97 = vector.extract_strided_slice %get3A_91 {offsets = [0, 64], sizes = [512, 64], strides = [1, 1]} : vector<512x128xf32> to vector<512x64xf32>
    %transpose3A_98 = tpu.transpose %slice3A_97, [1, 0] : vector<512x64xf32> -> vector<64x512xf32>
    %mul3A_99 = arith.constant 8.000000e+00 : f32
    %mul3A_100 = vector.broadcast %mul3A_99 : f32 to vector<64x512xf32>
    %mul3A_101 = arith.mulf %transpose3A_98, %mul3A_100 : vector<64x512xf32>
    %concatenate3A_102 = tpu.concatenate %mul3A_96, %mul3A_101 in 1 : vector<64x512xf32>, vector<64x512xf32> -> vector<64x1024xf32>
    %reshape3A_103 = vector.shape_cast %concatenate3A_102 : vector<64x1024xf32> to vector<8x8x8x128xf32>
    %transpose3A_104 = tpu.transpose %reshape3A_103, [0, 2, 1, 3] : vector<8x8x8x128xf32> -> vector<8x8x8x128xf32>
    %swap3A_105 = arith.constant 4 : index
    %swap3A_106 = arith.constant 0 : index
    %swap3A_107 = arith.constant 0 : index
    %swap3A_108 = arith.constant 0 : index
    %swap3A_109 = arith.constant 0 : index
    %swap3A_110 = vector.load %arg2[%swap3A_105, %swap3A_106, %swap3A_107, %swap3A_108, %swap3A_109] : memref<8x8x8x8x128xf32, #tpu.memory_space<vmem>>, vector<1x8x8x8x128xf32>
    %swap3A_111 = vector.shape_cast %swap3A_110 : vector<1x8x8x8x128xf32> to vector<8x8x8x128xf32>
    %swap3A_112 = vector.shape_cast %transpose3A_104 : vector<8x8x8x128xf32> to vector<1x8x8x8x128xf32>
    tpu.vector_store %arg2[%swap3A_105, %swap3A_106, %swap3A_107, %swap3A_108, %swap3A_109], %swap3A_112 {strides = array<i32>} : memref<8x8x8x8x128xf32, #tpu.memory_space<vmem>>, vector<1x8x8x8x128xf32>,
    %get3A_113 = arith.constant 2560 : index
    %get3A_114 = arith.constant 0 : index
    %get3A_115 = vector.load %arg1[%get3A_113, %get3A_114] : memref<4096x128xf32, #tpu.memory_space<vmem>>, vector<512x128xf32>
    %slice3A_116 = vector.extract_strided_slice %get3A_115 {offsets = [0, 0], sizes = [512, 64], strides = [1, 1]} : vector<512x128xf32> to vector<512x64xf32>
    %transpose3A_117 = tpu.transpose %slice3A_116, [1, 0] : vector<512x64xf32> -> vector<64x512xf32>
    %mul3A_118 = arith.constant 8.000000e+00 : f32
    %mul3A_119 = vector.broadcast %mul3A_118 : f32 to vector<64x512xf32>
    %mul3A_120 = arith.mulf %transpose3A_117, %mul3A_119 : vector<64x512xf32>
    %slice3A_121 = vector.extract_strided_slice %get3A_115 {offsets = [0, 64], sizes = [512, 64], strides = [1, 1]} : vector<512x128xf32> to vector<512x64xf32>
    %transpose3A_122 = tpu.transpose %slice3A_121, [1, 0] : vector<512x64xf32> -> vector<64x512xf32>
    %mul3A_123 = arith.constant 8.000000e+00 : f32
    %mul3A_124 = vector.broadcast %mul3A_123 : f32 to vector<64x512xf32>
    %mul3A_125 = arith.mulf %transpose3A_122, %mul3A_124 : vector<64x512xf32>
    %concatenate3A_126 = tpu.concatenate %mul3A_120, %mul3A_125 in 1 : vector<64x512xf32>, vector<64x512xf32> -> vector<64x1024xf32>
    %reshape3A_127 = vector.shape_cast %concatenate3A_126 : vector<64x1024xf32> to vector<8x8x8x128xf32>
    %transpose3A_128 = tpu.transpose %reshape3A_127, [0, 2, 1, 3] : vector<8x8x8x128xf32> -> vector<8x8x8x128xf32>
    %swap3A_129 = arith.constant 5 : index
    %swap3A_130 = arith.constant 0 : index
    %swap3A_131 = arith.constant 0 : index
    %swap3A_132 = arith.constant 0 : index
    %swap3A_133 = arith.constant 0 : index
    %swap3A_134 = vector.load %arg2[%swap3A_129, %swap3A_130, %swap3A_131, %swap3A_132, %swap3A_133] : memref<8x8x8x8x128xf32, #tpu.memory_space<vmem>>, vector<1x8x8x8x128xf32>
    %swap3A_135 = vector.shape_cast %swap3A_134 : vector<1x8x8x8x128xf32> to vector<8x8x8x128xf32>
    %swap3A_136 = vector.shape_cast %transpose3A_128 : vector<8x8x8x128xf32> to vector<1x8x8x8x128xf32>
    tpu.vector_store %arg2[%swap3A_129, %swap3A_130, %swap3A_131, %swap3A_132, %swap3A_133], %swap3A_136 {strides = array<i32>} : memref<8x8x8x8x128xf32, #tpu.memory_space<vmem>>, vector<1x8x8x8x128xf32>,
    %get3A_137 = arith.constant 3072 : index
    %get3A_138 = arith.constant 0 : index
    %get3A_139 = vector.load %arg1[%get3A_137, %get3A_138] : memref<4096x128xf32, #tpu.memory_space<vmem>>, vector<512x128xf32>
    %slice3A_140 = vector.extract_strided_slice %get3A_139 {offsets = [0, 0], sizes = [512, 64], strides = [1, 1]} : vector<512x128xf32> to vector<512x64xf32>
    %transpose3A_141 = tpu.transpose %slice3A_140, [1, 0] : vector<512x64xf32> -> vector<64x512xf32>
    %mul3A_142 = arith.constant 8.000000e+00 : f32
    %mul3A_143 = vector.broadcast %mul3A_142 : f32 to vector<64x512xf32>
    %mul3A_144 = arith.mulf %transpose3A_141, %mul3A_143 : vector<64x512xf32>
    %slice3A_145 = vector.extract_strided_slice %get3A_139 {offsets = [0, 64], sizes = [512, 64], strides = [1, 1]} : vector<512x128xf32> to vector<512x64xf32>
    %transpose3A_146 = tpu.transpose %slice3A_145, [1, 0] : vector<512x64xf32> -> vector<64x512xf32>
    %mul3A_147 = arith.constant 8.000000e+00 : f32
    %mul3A_148 = vector.broadcast %mul3A_147 : f32 to vector<64x512xf32>
    %mul3A_149 = arith.mulf %transpose3A_146, %mul3A_148 : vector<64x512xf32>
    %concatenate3A_150 = tpu.concatenate %mul3A_144, %mul3A_149 in 1 : vector<64x512xf32>, vector<64x512xf32> -> vector<64x1024xf32>
    %reshape3A_151 = vector.shape_cast %concatenate3A_150 : vector<64x1024xf32> to vector<8x8x8x128xf32>
    %transpose3A_152 = tpu.transpose %reshape3A_151, [0, 2, 1, 3] : vector<8x8x8x128xf32> -> vector<8x8x8x128xf32>
    %swap3A_153 = arith.constant 6 : index
    %swap3A_154 = arith.constant 0 : index
    %swap3A_155 = arith.constant 0 : index
    %swap3A_156 = arith.constant 0 : index
    %swap3A_157 = arith.constant 0 : index
    %swap3A_158 = vector.load %arg2[%swap3A_153, %swap3A_154, %swap3A_155, %swap3A_156, %swap3A_157] : memref<8x8x8x8x128xf32, #tpu.memory_space<vmem>>, vector<1x8x8x8x128xf32>
    %swap3A_159 = vector.shape_cast %swap3A_158 : vector<1x8x8x8x128xf32> to vector<8x8x8x128xf32>
    %swap3A_160 = vector.shape_cast %transpose3A_152 : vector<8x8x8x128xf32> to vector<1x8x8x8x128xf32>
    tpu.vector_store %arg2[%swap3A_153, %swap3A_154, %swap3A_155, %swap3A_156, %swap3A_157], %swap3A_160 {strides = array<i32>} : memref<8x8x8x8x128xf32, #tpu.memory_space<vmem>>, vector<1x8x8x8x128xf32>,
    %get3A_161 = arith.constant 3584 : index
    %get3A_162 = arith.constant 0 : index
    %get3A_163 = vector.load %arg1[%get3A_161, %get3A_162] : memref<4096x128xf32, #tpu.memory_space<vmem>>, vector<512x128xf32>
    %slice3A_164 = vector.extract_strided_slice %get3A_163 {offsets = [0, 0], sizes = [512, 64], strides = [1, 1]} : vector<512x128xf32> to vector<512x64xf32>
    %transpose3A_165 = tpu.transpose %slice3A_164, [1, 0] : vector<512x64xf32> -> vector<64x512xf32>
    %mul3A_166 = arith.constant 8.000000e+00 : f32
    %mul3A_167 = vector.broadcast %mul3A_166 : f32 to vector<64x512xf32>
    %mul3A_168 = arith.mulf %transpose3A_165, %mul3A_167 : vector<64x512xf32>
    %slice3A_169 = vector.extract_strided_slice %get3A_163 {offsets = [0, 64], sizes = [512, 64], strides = [1, 1]} : vector<512x128xf32> to vector<512x64xf32>
    %transpose3A_170 = tpu.transpose %slice3A_169, [1, 0] : vector<512x64xf32> -> vector<64x512xf32>
    %mul3A_171 = arith.constant 8.000000e+00 : f32
    %mul3A_172 = vector.broadcast %mul3A_171 : f32 to vector<64x512xf32>
    %mul3A_173 = arith.mulf %transpose3A_170, %mul3A_172 : vector<64x512xf32>
    %concatenate3A_174 = tpu.concatenate %mul3A_168, %mul3A_173 in 1 : vector<64x512xf32>, vector<64x512xf32> -> vector<64x1024xf32>
    %reshape3A_175 = vector.shape_cast %concatenate3A_174 : vector<64x1024xf32> to vector<8x8x8x128xf32>
    %transpose3A_176 = tpu.transpose %reshape3A_175, [0, 2, 1, 3] : vector<8x8x8x128xf32> -> vector<8x8x8x128xf32>
    %swap3A_177 = arith.constant 7 : index
    %swap3A_178 = arith.constant 0 : index
    %swap3A_179 = arith.constant 0 : index
    %swap3A_180 = arith.constant 0 : index
    %swap3A_181 = arith.constant 0 : index
    %swap3A_182 = vector.load %arg2[%swap3A_177, %swap3A_178, %swap3A_179, %swap3A_180, %swap3A_181] : memref<8x8x8x8x128xf32, #tpu.memory_space<vmem>>, vector<1x8x8x8x128xf32>
    %swap3A_183 = vector.shape_cast %swap3A_182 : vector<1x8x8x8x128xf32> to vector<8x8x8x128xf32>
    %swap3A_184 = vector.shape_cast %transpose3A_176 : vector<8x8x8x128xf32> to vector<1x8x8x8x128xf32>
    tpu.vector_store %arg2[%swap3A_177, %swap3A_178, %swap3A_179, %swap3A_180, %swap3A_181], %swap3A_184 {strides = array<i32>} : memref<8x8x8x8x128xf32, #tpu.memory_space<vmem>>, vector<1x8x8x8x128xf32>,
    return
  }
  func.func @transform_0(%arg0: i32) -> (i32, i32) {
    %c0_i32 = arith.constant 0 : i32
    %c0_i32_0 = arith.constant 0 : i32
    return %arg0, %c0_i32 : i32, i32
  }
  func.func @transform_1(%arg0: i32) -> (i32, i32, i32, i32, i32) {
    %c0_i32 = arith.constant 0 : i32
    %c0_i32_0 = arith.constant 0 : i32
    %c0_i32_1 = arith.constant 0 : i32
    %c0_i32_2 = arith.constant 0 : i32
    %c0_i32_3 = arith.constant 0 : i32
    return %arg0, %c0_i32, %c0_i32_0, %c0_i32_1, %c0_i32_2 : i32, i32, i32, i32, i32
  }
}

</mosaic_0001>

<sc_bundles>
// kernel: kernel.4.cloned.1.call-start
scs
__scs_entry_jumppad:
0x0: {  	(pc) =	sbr.rel $0x88, $3  }
0x1: {  	(tag) =	ssettag $0x0;
	lr =	simm.s32 $0x1  }
0x2: {  	[smem:$0x3F9F] =	sst lr;
	_ =	strace $0xD0000000  }
0x3: {  	_ = 	snop  }
0x4: {  	_ = 	snop  }
0x5: {  	_ = 	snop  }
0x6: {  	_ = 	snop  }
0x7: {  	_ = 	snop  }
__scs_overlays_trampoline_lowered:
0x8: {  	[smem:$0x3FAE] =	sst s0  }
0x9: {  	[smem:$0x3FAF] =	sst s1  }
0xa: {  	[smem:$0x3FB0] =	sst s2  }
0xb: {  	[smem:$0x3FB1] =	sst s3  }
0xc: {  	[smem:$0x3FB2] =	sst s4  }
0xd: {  	[smem:$0x3FB3] =	sst s5  }
0xe: {  	[smem:$0x3FB4] =	sst s6  }
0xf: {  	[smem:$0x3FB5] =	sst s7  }
0x10: {  	[smem:$0x3FB6] =	sst s8  }
0x11: {  	[smem:$0x3FB7] =	sst s9;
	s0 =	simm.s32 @!p0 $0x0  }
0x12: {  	s1 =	sld [smem:$0x3F9D];
	s0 =	simm.s32 @p0 $0x1  }
0x13: {  	[smem:$0x3FB8] =	sst s0;
	s0 =	simm.s32 @!p1 $0x0  }
0x14: {  	s2 =	sld [smem:$0x3F9C];
	s0 =	simm.s32 @p1 $0x1  }
0x15: {  	[smem:$0x3FB9] =	sst s0;
	s0 =	simm.s32 @!p2 $0x0  }
0x16: {  	s3 =	sld [smem:$0x3FDB];
	s0 =	simm.s32 @p2 $0x1  }
0x17: {  	s4 =	simm.s32 $0x1BF5;
	[smem:$0x3FBB] =	sst s0  }
0x18: {  	s0 =	sld [smem:$0x3F9E];
	_ =	swait.ge [sflag:s4], $0x0  }
0x19: {  	s7 =	sld [smem:$0x3F9F]  }
0x1a: {  	s8 =	sadd.s32 $0xFFFFE003, lr  }
0x1b: {  	s9 =	sadd.s32 $0xFFFFFEF7, lr;
	s5 =	simm.s32 $0xFFFFFFFF;
	p2 =	slt.u32 s8, $0xFFFFF086  }
0x1c: {  	p1 =	slt.u32 s9, $0xF7A;
	s5 =	simm.s32 @!p2 $0x0  }
0x1d: {  	s5 =	simm.s32 @p1 $0x1;
	p0 =	seq.s32 s7, s2  }
0x1e: {  	s7 =	smul.u32 @!p0 $0xF7A, s2;
	p2 =	seq.s32 @!p0 s5, $0x0  }
0x1f: {  	s9 =	smul.u32 $0xF7A, s1;
	s8 =	simm.s32 @!p0 $0x1BF5;
	p2 =	por !p2, p0  }
0x20: {  	[sflag:s8] =	ssyncset.s32 @!p0 $0xFFFFF086;
	s6 =	sadd.s32 @!p0 s3, s7;
	s7 =	simm.s32 @!p0 $0x108  }
0x21: {  	s3 =	sadd.s32 s3, s9;
	s6 =	sadd.s32 @!p0 $0x88, s6;
	s7 =	simm.s32 @p2 $0x1082  }
0x22: {  	[simem:s7], [sflag:s8] =	dma.local @!p0 [hbm:s6], $0xF7A  }
0x23: {  	s9 =	sor.u32 $0xD0000000, s2;
	s6 =	simm.s32 $0x108;
	_ =	swait.ge @!p0 [sflag:s8], $0x0  }
0x24: {  	s3 =	sadd.s32 $0x88, s3;
	s6 =	simm.s32 @!p1 $0x1082;
	[sflag:s4] =	ssyncset.s32 $0xFFFFF086  }
0x25: {  	[simem:s6], [sflag:s4] =	dma.local [hbm:s3], $0xF7A  }
0x26: {  	[smem:$0x3F9F] =	sst s1;
	(tag) =	ssettag s2;
	_ =	strace s9  }
0x27: {  	s1 =	sld [smem:$0x3FAF]  }
0x28: {  	s2 =	sld [smem:$0x3FB0]  }
0x29: {  	s4 =	sld [smem:$0x3FB2]  }
0x2a: {  	p0 =	seq.s32 s5, $0x0;
	s5 =	sld [smem:$0x3FB3]  }
0x2b: {  	s6 =	sld [smem:$0x3FB4]  }
0x2c: {  	s7 =	sld [smem:$0x3FB5]  }
0x2d: {  	s3 =	simm.s32 $0x108;
	s8 =	sld [smem:$0x3FB6]  }
0x2e: {  	s3 =	simm.s32 @!p0 $0x1082;
	s9 =	sld [smem:$0x3FB7]  }
0x2f: {  	lr =	sadd.s32 s0, s3;
	s0 =	sld [smem:$0x3FAE]  }
0x30: {  	s3 =	sld [smem:$0x3FB1]  }
0x31: {  	[smem:$0x3FBA] =	sst s10  }
0x32: {  	s10 =	sld [smem:$0x3FB8];
	_ =	sdelay $0x3  }
0x33: {  	p0 =	seq.s32 s10, $0x1;
	s10 =	sld [smem:$0x3FBA];
	_ =	sdelay $0x3  }
0x34: {  	[smem:$0x3FBA] =	sst s10  }
0x35: {  	s10 =	sld [smem:$0x3FB9];
	_ =	sdelay $0x3  }
0x36: {  	p1 =	seq.s32 s10, $0x1;
	s10 =	sld [smem:$0x3FBA];
	_ =	sdelay $0x3  }
0x37: {  	[smem:$0x3FBA] =	sst s10  }
0x38: {  	s10 =	sld [smem:$0x3FBB]  }
0x39: {  	_ = 	snop;
	(pc) =	sbr.ind lr, $3  }
0x3a: {  	_ = 	snop  }
0x3b: {  	_ = 	snop  }
0x3c: {  	p2 =	seq.s32 s10, $0x1;
	s10 =	sld [smem:$0x3FBA]  }
0x3d: {  	_ =	shalt  }
0x3e: {  	_ =	shalt  }
0x3f: {  	_ =	shalt  }
0x40: {  	_ =	shalt  }
0x41: {  	_ =	shalt  }
0x42: {  	_ =	shalt  }
0x43: {  	_ =	shalt  }
0x44: {  	_ =	shalt  }
0x45: {  	_ =	shalt  }
0x46: {  	_ =	shalt  }
0x47: {  	_ =	shalt  }
0x48: {  	_ =	shalt  }
0x49: {  	_ =	shalt  }
0x4a: {  	_ =	shalt  }
0x4b: {  	_ =	shalt  }
0x4c: {  	_ =	shalt  }
0x4d: {  	_ =	shalt  }
0x4e: {  	_ =	shalt  }
0x4f: {  	_ =	shalt  }
0x50: {  	_ =	shalt  }
0x51: {  	_ =	shalt  }
0x52: {  	_ =	shalt  }
0x53: {  	_ =	shalt  }
0x54: {  	_ =	shalt  }
0x55: {  	_ =	shalt  }
0x56: {  	_ =	shalt  }
0x57: {  	_ =	shalt  }
0x58: {  	_ =	shalt  }
0x59: {  	_ =	shalt  }
0x5a: {  	_ =	shalt  }
0x5b: {  	_ =	shalt  }
0x5c: {  	_ =	shalt  }
0x5d: {  	_ =	shalt  }
0x5e: {  	_ =	shalt  }
0x5f: {  	_ =	shalt  }
0x60: {  	_ =	shalt  }
0x61: {  	_ =	shalt  }
0x62: {  	_ =	shalt  }
0x63: {  	_ =	shalt  }
0x64: {  	_ =	shalt  }
0x65: {  	_ =	shalt  }
0x66: {  	_ =	shalt  }
0x67: {  	_ =	shalt  }
0x68: {  	_ =	shalt  }
0x69: {  	_ =	shalt  }
0x6a: {  	_ =	shalt  }
0x6b: {  	_ =	shalt  }
0x6c: {  	_ =	shalt  }
0x6d: {  	_ =	shalt  }
0x6e: {  	_ =	shalt  }
0x6f: {  	_ =	shalt  }
0x70: {  	_ =	shalt  }
0x71: {  	_ =	shalt  }
0x72: {  	_ =	shalt  }
0x73: {  	_ =	shalt  }
0x74: {  	_ =	shalt  }
0x75: {  	_ =	shalt  }
0x76: {  	_ =	shalt  }
0x77: {  	_ =	shalt  }
0x78: {  	_ =	shalt  }
0x79: {  	_ =	shalt  }
0x7a: {  	_ =	shalt  }
0x7b: {  	_ =	shalt  }
0x7c: {  	_ =	shalt  }
0x7d: {  	_ =	shalt  }
0x7e: {  	_ =	shalt  }
0x7f: {  	_ =	shalt  }
0x80: {  	_ =	shalt  }
0x81: {  	_ =	shalt  }
0x82: {  	_ =	shalt  }
0x83: {  	_ =	shalt  }
0x84: {  	_ =	shalt  }
0x85: {  	_ =	shalt  }
0x86: {  	_ =	shalt  }
0x87: {  	_ =	shalt  }
.Lfunc_end0:
.L_simem_size_0:
called_computation_lowered:
.L_overlay_start_0:
0x88: {  	s2 =	sld [smem:$0x3FD9]  }
0x89: {  	s3 =	sld [smem:$0x3FFE];
	_ =	sdelay $0x1  }
0x8a: {  	s1 =	srdreg.scid  }
0x8b: {  	s0 =	sand.u32 $0x1, s1  }
0x8c: {  	s16 =	sshll.u32 s0, $0xA;
	s2 =	sadd.s32 s3, s2  }
0x8d: {  	s2 =	sadd.s32 s2, s16  }
0x8e: {  	[smem:$0x3FC6] =	sst s2  }
0x8f: {  	_ = 	snop  }
0x90: {  	(tm) =	ssettm $0x1  }
0x91: {  	s17 =	sld [smem:$0x3FFB];
	_ =	sdelay $0x3  }
0x92: {  	_ =	strace s17  }
0x93: {  	s2 =	sld [smem:$0x3FFC];
	_ =	sdelay $0x3  }
0x94: {  	_ =	strace s2  }
0x95: {  	s2 =	sld [smem:$0x3FFD];
	_ =	sdelay $0x3  }
0x96: {  	_ =	strace s2  }
0x97: {  	_ =	strace $0x8FFFFFFF  }
0x98: {  	s18 =	sld [smem:$0x3FDB];
	_ =	sdelay $0x1  }
0x99: {  	s19 =	simm.s32 $_scs_section_size  }
0x9a: {  	s4 =	simm.s32 $_size__tile_overlayer_lowered;
	s5 =	simm.s32 $_tile_overlayer_lowered  }
0x9b: {  	s22 =	simm.s32 $0x1BFF;
	s21 =	sshll.u32 s5, $0x1;
	s2 =	sadd.s32 s19, s18  }
0x9c: {  	s6 =	simm.s32 $0x0;
	s20 =	sshll.u32 s4, $0x1;
	s4 =	sadd.s32 s21, s2  }
0x9d: {  	[timem:s6], [sflag:s22] =	dma.local [hbm:s4], s20  }
0x9e: {  	_ =	swait.ge [sflag:s22], s20  }
0x9f: {  	s3 =	ssub.s32 $0x0, s20;
	[sflag:s22] =	ssyncset.done $0x0  }
0xa0: {  	[sflag:s22] =	ssyncadd.s32 s3;
	_ =	sdelay $0x1  }
0xa1: {  	s23 =	simm.s32 $0x1B8B  }
0xa2: {  	_ =	swait.ge [sflag:s23], $0x1  }
0xa3: {  	[sflag:s23] =	ssyncset.done $0x0  }
0xa4: {  	s25 =	simm.s32 $0x1B8E;
	s24 =	sld [smem:$0x3FFE];
	[sflag:s23] =	ssyncadd.s32 $0xFFFFFFFF  }
0xa5: {  	s26 =	simm.s32 $execute0_lowered;
	[smem:$0x3FD2] =	sst s25  }
0xa6: {  	s4 =	sshll.u32 s26, $0x1;
	_ =	strace $0x80000046;
	[dreg:$0x1] =	wrdreg $0xFFFFFFFF  }
0xa7: {  	s28 =	simm.s32 $_size_execute0_lowered;
	s2 =	sadd.s32 s2, s4;
	[dreg:$0x0] =	wrdreg $0x0  }
0xa8: {  	s4 =	sshll.u32 s28, $0x1;
	[dreg:$0x2] =	wrdreg s2  }
0xa9: {  	[dreg:$0x3] =	wrdreg s4  }
0xaa: {  	[dreg:$0x4] =	wrdreg $0xC0  }
0xab: {  	_ =	task [dreg:s6], $0x5FFFF  }
0xac: {  	[dreg:$0x1] =	wrdreg $0xFFFFFFFF  }
0xad: {  	[dreg:$0x0] =	wrdreg $0x60  }
0xae: {  	[dreg:$0x2] =	wrdreg s24  }
0xaf: {  	[dreg:$0x3] =	wrdreg $0x9  }
0xb0: {  	_ =	task.clear_ibuf [dreg:s6], $0x4FFFF;
	_ =	strace $0x90000046  }
0xb1: {  	s29 =	simm.s32 $0x9;
	_ =	strace $0x80000048  }
0xb2: {  	_ =	swait.ge [sflag:s29], $0x1  }
0xb3: {  	[sflag:s29] =	ssyncadd.s32 $0xFFFFFFFF  }
0xb4: {  	_ =	strace $0x90000048  }
0xb5: {  	_ =	sfence  }
0xb6: {  	s30 =	sld [smem:$0x0];
	_ =	sdelay $0x2  }
0xb7: {  	s31 =	sshll.u32 s1, $0xD;
	s1 =	sshrl.u32 s1, $0x2  }
0xb8: {  	s3 =	sand.u32 $0x4000, s31;
	s1 =	sadd.s32 s1, s30  }
0xb9: {  	s0 =	sor.u32 s3, s0;
	s1 =	sshll.u32 s1, $0x11  }
0xba: {  	s0 =	sor.u32 s1, s0  }
0xbb: {  	s0 =	sadd.s32 $0x8F2B, s0  }
0xbc: {  	[sflag:s0] =	ssyncadd.remote.s32 $0x1  }
0xbd: {  	_ =	sfence.sel $0xFFFF  }
0xbe: {  	[dreg:$0x0] =	wrdreg $0xFFFFFFFF;
	(pc) =	sbr.abs _section_cstart, $3  }
0xbf: {  	[dreg:$0x1] =	wrdreg $0xFFFFFFFF  }
0xc0: {  	_ =	task.clear_ibuf [dreg:s6], $0x2FFFF;
	_ =	strace $0x9FFFFFFF  }
0xc1: {  	(tm) =	ssettm $0x7FFFFFFF  }
tec
execute0_lowered:
.L_overlay_start_1:
0x0: {  	(tag) =	ssettag $0x1  }
0x1: {  	s5 =	stileid.u32;
	s0 =	srdreg.scid  }
0x2: {  	s3 =	rddreg [dreg:$0x0];
	s18 =	simm.s32 $0x0;
	s1 =	sshll.u32 s5, $0x1  }
0x3: {  	s4 =	simm.s32 $0x1;
	s0 =	sand.u32 $0x1, s0;
	s1 =	sand.u32 $0x2, s1  }
0x4: {  	s30 =	simm.s32 $0x400;
	s31 =	simm.s32 $0x5;
	s2 =	sor.u32 s0, s1  }
0x5: {  	s29 =	simm.s32 $0x900;
	p1 =	seq.s32 s0, $0x1;
	p0 =	seq.s32 s2, $0x0  }
0x6: {  	s28 =	simm.s32 $0xA00;
	s5 =	sshrl.u32 s5, $0x1;
	p0 =	por !p0, !p1  }
0x7: {  	[smem:$0x7FF] =	sst s18;
	s6 =	smul.u32 $0x6400, s5;
	p0 =	por !p0, !p0  }
0x8: {  	s1 =	sshrl.u32 s1, $0x1;
	s2 =	sshll.u32 s2, $0x8;
	s4 =	simm.s32 @!p0 $0x0  }
0x9: {  	s5 =	smul.u32 $0x3200, s5;
	s6 =	sor.u32 s6, s2;
	s1 =	ssub.s32 s1, s4  }
0xa: {  	_ =	strace $0x80000047;
	s6 =	sshrl.u32 s6, $0x3;
	s4 =	sshll.u32 s1, $0x9  }
0xb: {  	s6 =	sadd.s32 s6, s3;
	p0 =	por $0x0, $0x0;
	s4 =	ssub.s32 s2, s4  }
0xc: {  	s19 =	sadd.s32 $0x400, s6;
	s17 =	sshll.u32 s1, $0x6;
	s4 =	sadd.s32 s5, s4  }
0xd: {  	s1 =	sadd.s32 $0xC9E00, s3;
	[dreg:$0x2] =	wrdreg s19;
	s4 =	sshll.u32 s4, $0x7  }
0xe: {  	s2 =	sadd.s32 $0x6800, s3;
	s3 =	ssub.s32 $0x2, s0;
	s5 =	sadd.s32 s17, s4  }
0xf: {  	s4 =	sshrl.u32 s3, $0x1;
	s20 =	sshrl.u32 s5, $0x3;
	s22 =	sadd.s32 $0x10000, s5  }
0x10: {  	s24 =	sadd.s32 $0x20000, s5;
	s7 =	sadd.s32 $0x30000, s5;
	s8 =	sadd.s32 $0x40000, s5  }
0x11: {  	s10 =	sadd.s32 $0x50000, s5;
	s11 =	sadd.s32 $0x60000, s5;
	s15 =	sadd.s32 $0x70000, s5  }
0x12: {  	s17 =	sadd.s32 $0x80000, s5;
	s19 =	sadd.s32 $0x90000, s5;
	s4 =	ssub.s32 s3, s4  }
0x13: {  	s3 =	simm.s32 $0x1;
	s21 =	sadd.s32 s1, s20;
	s23 =	sshrl.u32 s22, $0x3  }
0x14: {  	s6 =	sshrl.u32 s24, $0x3;
	s26 =	sshrl.u32 s7, $0x3;
	s9 =	sshrl.u32 s8, $0x3  }
0x15: {  	s13 =	sshrl.u32 s11, $0x3;
	s16 =	sshrl.u32 s15, $0x3;
	s11 =	sadd.s32 $0xD0000, s5  }
0x16: {  	[dreg:$0x3] =	wrdreg s21;
	s0 =	sadd.s32 s1, s23;
	s25 =	sadd.s32 s1, s6  }
0x17: {  	s7 =	sadd.s32 s1, s26;
	s6 =	sshrl.u32 s10, $0x3;
	s14 =	sadd.s32 s1, s13  }
0x18: {  	s21 =	sshrl.u32 s19, $0x3;
	s23 =	sadd.s32 $0xA0000, s5;
	[dreg:$0x4] =	wrdreg s0  }
0x19: {  	s26 =	sadd.s32 $0xC0000, s5;
	s13 =	sadd.s32 $0xE0000, s5;
	[dreg:$0x5] =	wrdreg s25  }
0x1a: {  	s19 =	sadd.s32 $0x100000, s5;
	[dreg:$0x6] =	wrdreg s7;
	s0 =	sadd.s32 s1, s9  }
0x1b: {  	s12 =	sadd.s32 s1, s6;
	[dreg:$0x9] =	wrdreg s14;
	s6 =	sshrl.u32 s17, $0x3  }
0x1c: {  	s22 =	sadd.s32 s1, s21;
	s24 =	sshrl.u32 s23, $0x3;
	s25 =	sadd.s32 $0xB0000, s5  }
0x1d: {  	s9 =	sshrl.u32 s26, $0x3;
	s14 =	sadd.s32 $0xF0000, s5;
	s21 =	sadd.s32 $0x110000, s5  }
0x1e: {  	s26 =	sadd.s32 $0x130000, s5;
	s7 =	sadd.s32 $0x140000, s5;
	[dreg:$0x7] =	wrdreg s0  }
0x1f: {  	[dreg:$0x8] =	wrdreg s12;
	s0 =	sadd.s32 s1, s16;
	s20 =	sadd.s32 s1, s6  }
0x20: {  	[dreg:$0xc] =	wrdreg s22;
	s6 =	sshrl.u32 s25, $0x3;
	s10 =	sadd.s32 s1, s9  }
0x21: {  	s12 =	sshrl.u32 s11, $0x3;
	s16 =	sshrl.u32 s14, $0x3;
	[dreg:$0xa] =	wrdreg s0  }
0x22: {  	s22 =	sadd.s32 $0x120000, s5;
	s14 =	sadd.s32 $0x170000, s5;
	[dreg:$0xb] =	wrdreg s20  }
0x23: {  	s0 =	sadd.s32 s1, s24;
	s8 =	sadd.s32 s1, s6;
	[dreg:$0xf] =	wrdreg s10  }
0x24: {  	s6 =	sshrl.u32 s13, $0x3;
	s17 =	sadd.s32 s1, s16;
	s20 =	sshrl.u32 s19, $0x3  }
0x25: {  	s24 =	sshrl.u32 s22, $0x3;
	s22 =	simm.s32 $0x300;
	[dreg:$0xd] =	wrdreg s0  }
0x26: {  	s19 =	simm.s32 $0x1200;
	[dreg:$0xe] =	wrdreg s8;
	s0 =	sadd.s32 s1, s12  }
0x27: {  	s15 =	sadd.s32 s1, s6;
	[dreg:$0x12] =	wrdreg s17;
	s6 =	sshrl.u32 s21, $0x3  }
0x28: {  	s25 =	sadd.s32 s1, s24;
	s8 =	sadd.s32 $0x150000, s5;
	s12 =	sadd.s32 $0x160000, s5  }
0x29: {  	s5 =	sadd.s32 $0x180000, s5;
	s17 =	smax.u32 s4, $0x1;
	[dreg:$0x1d] =	wrdreg s22  }
0x2a: {  	s4 =	simm.s32 $0x1900;
	s21 =	simm.s32 $0x200;
	[dreg:$0x10] =	wrdreg s0  }
0x2b: {  	s24 =	simm.s32 $0x600;
	s22 =	simm.s32 $0xF00;
	[dreg:$0x11] =	wrdreg s15  }
0x2c: {  	s0 =	sadd.s32 s1, s20;
	s23 =	sadd.s32 s1, s6;
	[dreg:$0x15] =	wrdreg s25  }
0x2d: {  	s6 =	sshrl.u32 s26, $0x3;
	s10 =	sshrl.u32 s8, $0x3;
	s13 =	sshrl.u32 s12, $0x3  }
0x2e: {  	s5 =	sshrl.u32 s5, $0x3;
	[dreg:$0x1c] =	wrdreg s21;
	s8 =	simm.s32 $0x80  }
0x2f: {  	[dreg:$0x1f] =	wrdreg s24;
	s25 =	simm.s32 $0x700;
	s26 =	simm.s32 $0x800  }
0x30: {  	s24 =	simm.s32 $0xD00;
	s21 =	simm.s32 $0x1000;
	s20 =	simm.s32 $0x1100  }
0x31: {  	p1 =	sne.s32 s17, $0x1;
	s12 =	simm.s32 $0x1800;
	[dreg:$0x13] =	wrdreg s0  }
0x32: {  	[dreg:$0x14] =	wrdreg s23;
	s0 =	sadd.s32 s1, s6;
	s6 =	sshrl.u32 s7, $0x3  }
0x33: {  	s11 =	sadd.s32 s1, s10;
	s16 =	sadd.s32 s1, s5;
	[smem:$0x7FC] =	sst s25  }
0x34: {  	s7 =	simm.s32 $0x5900;
	s5 =	simm.s32 $0x40;
	[smem:$0x7FD] =	sst s26  }
0x35: {  	s23 =	simm.s32 $0x500;
	s10 =	simm.s32 $0x4;
	[dreg:$0x16] =	wrdreg s0  }
0x36: {  	s26 =	simm.s32 $0xB00;
	s25 =	simm.s32 $0xC00;
	[dreg:$0x18] =	wrdreg s11  }
0x37: {  	s9 =	sadd.s32 s1, s6;
	s0 =	sadd.s32 s1, s13;
	[dreg:$0x1b] =	wrdreg s16  }
0x38: {  	s6 =	sshrl.u32 s14, $0x3;
	[dreg:$0x1e] =	wrdreg s23;
	s11 =	simm.s32 $0x2  }
.Ltmp0:
0x39: {  	s23 =	simm.s32 $0xE00;
	s16 =	simm.s32 $0x1400;
	(pc) =	sbr.rel @!p1 .LBB2_3-.Ltmp0, $4  }
0x3a: {  	s14 =	simm.s32 $0x1600;
	s13 =	simm.s32 $0x1700;
	[dreg:$0x17] =	wrdreg s9  }
0x3b: {  	[dreg:$0x19] =	wrdreg s0;
	s15 =	sadd.s32 s1, s6;
	s9 =	simm.s32 $0x100  }
0x3c: {  	s6 =	simm.s32 $0x3;
	s1 =	sadd.s32 $0xFFFFFFFF, s17;
	s0 =	rddreg [dreg:$0x2]  }
0x3d: {  	s17 =	simm.s32 $0x1300;
	[dreg:$0x1a] =	wrdreg s15;
	s15 =	simm.s32 $0x1500  }
0x3e: {  	[tilespmem:s18], [sflag:$0x5] =	stream.strided.gather [hbm4b:s0+s9], $0x1900, s30, s9, $0x38;
	[tilespmem:$0x9900] =	vst v63  }
0x3f: {  	_ =	swait.ge [sflag:s31], $0x1900  }
0x40: {  	[sflag:s31] =	ssyncset.done $0x0  }
0x41: {  	[sflag:s31] =	ssyncadd.s32 $0xFFFFE700  }
0x42: {  	[tilespmem:s4], [sflag:$0x1] =	stream.indirect.gather [hbm4b:s2+s9], $0x40, s18, s9, $0xb8;
	[tilespmem:$0x9900] =	vst v63  }
0x43: {  	_ = 	snop  }
0x44: {  	[tilespmem:s7], [sflag:$0x2] =	stream.indirect.gather [hbm4b:s2+s9], $0x40, s9, s9, $0xb8;
	[tilespmem:$0x9900] =	vst v63  }
0x45: {  	_ =	swait.ge [sflag:s3], $0x4000  }
0x46: {  	[sflag:s3] =	ssyncset.done $0x0  }
0x47: {  	s0 =	rddreg [dreg:$0x3];
	[sflag:s3] =	ssyncadd.s32 $0xFFFFC000  }
0x48: {  	[hbm4b:s0+s5] =	stream.strided.scatter [tilespmem:s4], [sflag:$0x3], $0x4000, s8, s5, $0x38;
	[tilespmem:$0x9900] =	vst v63  }
0x49: {  	_ =	swait.ge [sflag:s6], $0x4000  }
0x4a: {  	[sflag:s6] =	ssyncset.done $0x0  }
0x4b: {  	s0 =	rddreg [dreg:$0x1c];
	[sflag:s6] =	ssyncadd.s32 $0xFFFFC000  }
0x4c: {  	[tilespmem:s4], [sflag:$0x1] =	stream.indirect.gather [hbm4b:s2+s9], $0x40, s0, s9, $0xb8;
	[tilespmem:$0x9900] =	vst v63  }
0x4d: {  	_ =	swait.ge [sflag:s11], $0x4000  }
0x4e: {  	[sflag:s11] =	ssyncset.done $0x0  }
0x4f: {  	s0 =	rddreg [dreg:$0x4];
	[sflag:s11] =	ssyncadd.s32 $0xFFFFC000  }
0x50: {  	[hbm4b:s0+s5] =	stream.strided.scatter [tilespmem:s7], [sflag:$0x4], $0x4000, s8, s5, $0x38;
	[tilespmem:$0x9900] =	vst v63  }
0x51: {  	_ =	swait.ge [sflag:s10], $0x4000  }
0x52: {  	[sflag:s10] =	ssyncset.done $0x0  }
0x53: {  	s0 =	rddreg [dreg:$0x1d];
	[sflag:s10] =	ssyncadd.s32 $0xFFFFC000  }
0x54: {  	[tilespmem:s7], [sflag:$0x2] =	stream.indirect.gather [hbm4b:s2+s9], $0x40, s0, s9, $0xb8;
	[tilespmem:$0x9900] =	vst v63  }
0x55: {  	_ =	swait.ge [sflag:s3], $0x4000  }
0x56: {  	[sflag:s3] =	ssyncset.done $0x0  }
0x57: {  	s0 =	rddreg [dreg:$0x5];
	[sflag:s3] =	ssyncadd.s32 $0xFFFFC000  }
0x58: {  	[hbm4b:s0+s5] =	stream.strided.scatter [tilespmem:s4], [sflag:$0x3], $0x4000, s8, s5, $0x38;
	[tilespmem:$0x9900] =	vst v63  }
0x59: {  	_ =	swait.ge [sflag:s6], $0x4000  }
0x5a: {  	[sflag:s6] =	ssyncset.done $0x0  }
0x5b: {  	[sflag:s6] =	ssyncadd.s32 $0xFFFFC000  }
0x5c: {  	[tilespmem:s4], [sflag:$0x1] =	stream.indirect.gather [hbm4b:s2+s9], $0x40, s30, s9, $0xb8;
	[tilespmem:$0x9900] =	vst v63  }
0x5d: {  	_ =	swait.ge [sflag:s11], $0x4000  }
0x5e: {  	[sflag:s11] =	ssyncset.done $0x0  }
0x5f: {  	s0 =	rddreg [dreg:$0x6];
	[sflag:s11] =	ssyncadd.s32 $0xFFFFC000  }
0x60: {  	[hbm4b:s0+s5] =	stream.strided.scatter [tilespmem:s7], [sflag:$0x4], $0x4000, s8, s5, $0x38;
	[tilespmem:$0x9900] =	vst v63  }
0x61: {  	_ =	swait.ge [sflag:s10], $0x4000  }
0x62: {  	[sflag:s10] =	ssyncset.done $0x0  }
0x63: {  	s0 =	rddreg [dreg:$0x1e];
	[sflag:s10] =	ssyncadd.s32 $0xFFFFC000  }
0x64: {  	[tilespmem:s7], [sflag:$0x2] =	stream.indirect.gather [hbm4b:s2+s9], $0x40, s0, s9, $0xb8;
	[tilespmem:$0x9900] =	vst v63  }
0x65: {  	_ =	swait.ge [sflag:s3], $0x4000  }
0x66: {  	[sflag:s3] =	ssyncset.done $0x0  }
0x67: {  	s0 =	rddreg [dreg:$0x7];
	[sflag:s3] =	ssyncadd.s32 $0xFFFFC000  }
0x68: {  	[hbm4b:s0+s5] =	stream.strided.scatter [tilespmem:s4], [sflag:$0x3], $0x4000, s8, s5, $0x38;
	[tilespmem:$0x9900] =	vst v63  }
0x69: {  	_ =	swait.ge [sflag:s6], $0x4000  }
0x6a: {  	[sflag:s6] =	ssyncset.done $0x0  }
0x6b: {  	s0 =	rddreg [dreg:$0x1f];
	[sflag:s6] =	ssyncadd.s32 $0xFFFFC000  }
0x6c: {  	[tilespmem:s4], [sflag:$0x1] =	stream.indirect.gather [hbm4b:s2+s9], $0x40, s0, s9, $0xb8;
	[tilespmem:$0x9900] =	vst v63  }
0x6d: {  	_ =	swait.ge [sflag:s11], $0x4000  }
0x6e: {  	[sflag:s11] =	ssyncset.done $0x0  }
0x6f: {  	s0 =	rddreg [dreg:$0x8];
	[sflag:s11] =	ssyncadd.s32 $0xFFFFC000  }
0x70: {  	[hbm4b:s0+s5] =	stream.strided.scatter [tilespmem:s7], [sflag:$0x4], $0x4000, s8, s5, $0x38;
	[tilespmem:$0x9900] =	vst v63  }
0x71: {  	_ =	swait.ge [sflag:s10], $0x4000  }
0x72: {  	s0 =	sld [smem:$0x7FC]  }
0x73: {  	[sflag:s10] =	ssyncset.done $0x0  }
0x74: {  	[sflag:s10] =	ssyncadd.s32 $0xFFFFC000  }
0x75: {  	[tilespmem:s7], [sflag:$0x2] =	stream.indirect.gather [hbm4b:s2+s9], $0x40, s0, s9, $0xb8;
	[tilespmem:$0x9900] =	vst v63  }
0x76: {  	_ =	swait.ge [sflag:s3], $0x4000  }
0x77: {  	[sflag:s3] =	ssyncset.done $0x0  }
0x78: {  	s0 =	rddreg [dreg:$0x9];
	[sflag:s3] =	ssyncadd.s32 $0xFFFFC000  }
0x79: {  	[hbm4b:s0+s5] =	stream.strided.scatter [tilespmem:s4], [sflag:$0x3], $0x4000, s8, s5, $0x38;
	[tilespmem:$0x9900] =	vst v63  }
0x7a: {  	_ =	swait.ge [sflag:s6], $0x4000  }
0x7b: {  	s0 =	sld [smem:$0x7FD]  }
0x7c: {  	[sflag:s6] =	ssyncset.done $0x0  }
0x7d: {  	[sflag:s6] =	ssyncadd.s32 $0xFFFFC000  }
0x7e: {  	[tilespmem:s4], [sflag:$0x1] =	stream.indirect.gather [hbm4b:s2+s9], $0x40, s0, s9, $0xb8;
	[tilespmem:$0x9900] =	vst v63  }
0x7f: {  	_ =	swait.ge [sflag:s11], $0x4000  }
0x80: {  	[sflag:s11] =	ssyncset.done $0x0  }
0x81: {  	s0 =	rddreg [dreg:$0xa];
	[sflag:s11] =	ssyncadd.s32 $0xFFFFC000  }
0x82: {  	[hbm4b:s0+s5] =	stream.strided.scatter [tilespmem:s7], [sflag:$0x4], $0x4000, s8, s5, $0x38;
	[tilespmem:$0x9900] =	vst v63  }
0x83: {  	_ =	swait.ge [sflag:s10], $0x4000  }
0x84: {  	[sflag:s10] =	ssyncset.done $0x0  }
0x85: {  	[sflag:s10] =	ssyncadd.s32 $0xFFFFC000  }
0x86: {  	[tilespmem:s7], [sflag:$0x2] =	stream.indirect.gather [hbm4b:s2+s9], $0x40, s29, s9, $0xb8;
	[tilespmem:$0x9900] =	vst v63  }
0x87: {  	_ =	swait.ge [sflag:s3], $0x4000  }
0x88: {  	[sflag:s3] =	ssyncset.done $0x0  }
0x89: {  	s0 =	rddreg [dreg:$0xb];
	[sflag:s3] =	ssyncadd.s32 $0xFFFFC000  }
0x8a: {  	[hbm4b:s0+s5] =	stream.strided.scatter [tilespmem:s4], [sflag:$0x3], $0x4000, s8, s5, $0x38;
	[tilespmem:$0x9900] =	vst v63  }
0x8b: {  	_ =	swait.ge [sflag:s6], $0x4000  }
0x8c: {  	[sflag:s6] =	ssyncset.done $0x0  }
0x8d: {  	[sflag:s6] =	ssyncadd.s32 $0xFFFFC000  }
0x8e: {  	[tilespmem:s4], [sflag:$0x1] =	stream.indirect.gather [hbm4b:s2+s9], $0x40, s28, s9, $0xb8;
	[tilespmem:$0x9900] =	vst v63  }
0x8f: {  	_ =	swait.ge [sflag:s11], $0x4000  }
0x90: {  	[sflag:s11] =	ssyncset.done $0x0  }
0x91: {  	s0 =	rddreg [dreg:$0xc];
	[sflag:s11] =	ssyncadd.s32 $0xFFFFC000  }
0x92: {  	[hbm4b:s0+s5] =	stream.strided.scatter [tilespmem:s7], [sflag:$0x4], $0x4000, s8, s5, $0x38;
	[tilespmem:$0x9900] =	vst v63  }
0x93: {  	_ =	swait.ge [sflag:s10], $0x4000  }
0x94: {  	[sflag:s10] =	ssyncset.done $0x0  }
0x95: {  	[sflag:s10] =	ssyncadd.s32 $0xFFFFC000  }
0x96: {  	[tilespmem:s7], [sflag:$0x2] =	stream.indirect.gather [hbm4b:s2+s9], $0x40, s26, s9, $0xb8;
	[tilespmem:$0x9900] =	vst v63  }
0x97: {  	_ =	swait.ge [sflag:s3], $0x4000  }
0x98: {  	[sflag:s3] =	ssyncset.done $0x0  }
0x99: {  	s0 =	rddreg [dreg:$0xd];
	[sflag:s3] =	ssyncadd.s32 $0xFFFFC000  }
0x9a: {  	[hbm4b:s0+s5] =	stream.strided.scatter [tilespmem:s4], [sflag:$0x3], $0x4000, s8, s5, $0x38;
	[tilespmem:$0x9900] =	vst v63  }
0x9b: {  	_ =	swait.ge [sflag:s6], $0x4000  }
0x9c: {  	[sflag:s6] =	ssyncset.done $0x0  }
0x9d: {  	[sflag:s6] =	ssyncadd.s32 $0xFFFFC000  }
0x9e: {  	[tilespmem:s4], [sflag:$0x1] =	stream.indirect.gather [hbm4b:s2+s9], $0x40, s25, s9, $0xb8;
	[tilespmem:$0x9900] =	vst v63  }
0x9f: {  	_ =	swait.ge [sflag:s11], $0x4000  }
0xa0: {  	[sflag:s11] =	ssyncset.done $0x0  }
0xa1: {  	s0 =	rddreg [dreg:$0xe];
	[sflag:s11] =	ssyncadd.s32 $0xFFFFC000  }
0xa2: {  	[hbm4b:s0+s5] =	stream.strided.scatter [tilespmem:s7], [sflag:$0x4], $0x4000, s8, s5, $0x38;
	[tilespmem:$0x9900] =	vst v63  }
0xa3: {  	_ =	swait.ge [sflag:s10], $0x4000  }
0xa4: {  	[sflag:s10] =	ssyncset.done $0x0  }
0xa5: {  	[sflag:s10] =	ssyncadd.s32 $0xFFFFC000  }
0xa6: {  	[tilespmem:s7], [sflag:$0x2] =	stream.indirect.gather [hbm4b:s2+s9], $0x40, s24, s9, $0xb8;
	[tilespmem:$0x9900] =	vst v63  }
0xa7: {  	_ =	swait.ge [sflag:s3], $0x4000  }
0xa8: {  	[sflag:s3] =	ssyncset.done $0x0  }
0xa9: {  	s0 =	rddreg [dreg:$0xf];
	[sflag:s3] =	ssyncadd.s32 $0xFFFFC000  }
0xaa: {  	[hbm4b:s0+s5] =	stream.strided.scatter [tilespmem:s4], [sflag:$0x3], $0x4000, s8, s5, $0x38;
	[tilespmem:$0x9900] =	vst v63  }
0xab: {  	_ =	swait.ge [sflag:s6], $0x4000  }
0xac: {  	[sflag:s6] =	ssyncset.done $0x0  }
0xad: {  	[sflag:s6] =	ssyncadd.s32 $0xFFFFC000  }
0xae: {  	[tilespmem:s4], [sflag:$0x1] =	stream.indirect.gather [hbm4b:s2+s9], $0x40, s23, s9, $0xb8;
	[tilespmem:$0x9900] =	vst v63  }
0xaf: {  	_ =	swait.ge [sflag:s11], $0x4000  }
0xb0: {  	[sflag:s11] =	ssyncset.done $0x0  }
0xb1: {  	s0 =	rddreg [dreg:$0x10];
	[sflag:s11] =	ssyncadd.s32 $0xFFFFC000  }
0xb2: {  	[hbm4b:s0+s5] =	stream.strided.scatter [tilespmem:s7], [sflag:$0x4], $0x4000, s8, s5, $0x38;
	[tilespmem:$0x9900] =	vst v63  }
0xb3: {  	_ =	swait.ge [sflag:s10], $0x4000  }
0xb4: {  	[sflag:s10] =	ssyncset.done $0x0  }
0xb5: {  	[sflag:s10] =	ssyncadd.s32 $0xFFFFC000  }
0xb6: {  	[tilespmem:s7], [sflag:$0x2] =	stream.indirect.gather [hbm4b:s2+s9], $0x40, s22, s9, $0xb8;
	[tilespmem:$0x9900] =	vst v63  }
0xb7: {  	_ =	swait.ge [sflag:s3], $0x4000  }
0xb8: {  	[sflag:s3] =	ssyncset.done $0x0  }
0xb9: {  	s0 =	rddreg [dreg:$0x11];
	[sflag:s3] =	ssyncadd.s32 $0xFFFFC000  }
0xba: {  	[hbm4b:s0+s5] =	stream.strided.scatter [tilespmem:s4], [sflag:$0x3], $0x4000, s8, s5, $0x38;
	[tilespmem:$0x9900] =	vst v63  }
0xbb: {  	_ =	swait.ge [sflag:s6], $0x4000  }
0xbc: {  	[sflag:s6] =	ssyncset.done $0x0  }
0xbd: {  	[sflag:s6] =	ssyncadd.s32 $0xFFFFC000  }
0xbe: {  	[tilespmem:s4], [sflag:$0x1] =	stream.indirect.gather [hbm4b:s2+s9], $0x40, s21, s9, $0xb8;
	[tilespmem:$0x9900] =	vst v63  }
0xbf: {  	_ =	swait.ge [sflag:s11], $0x4000  }
0xc0: {  	[sflag:s11] =	ssyncset.done $0x0  }
0xc1: {  	s0 =	rddreg [dreg:$0x12];
	[sflag:s11] =	ssyncadd.s32 $0xFFFFC000  }
0xc2: {  	[hbm4b:s0+s5] =	stream.strided.scatter [tilespmem:s7], [sflag:$0x4], $0x4000, s8, s5, $0x38;
	[tilespmem:$0x9900] =	vst v63  }
0xc3: {  	_ =	swait.ge [sflag:s10], $0x4000  }
0xc4: {  	[sflag:s10] =	ssyncset.done $0x0  }
0xc5: {  	[sflag:s10] =	ssyncadd.s32 $0xFFFFC000  }
0xc6: {  	[tilespmem:s7], [sflag:$0x2] =	stream.indirect.gather [hbm4b:s2+s9], $0x40, s20, s9, $0xb8;
	[tilespmem:$0x9900] =	vst v63  }
0xc7: {  	_ =	swait.ge [sflag:s3], $0x4000  }
0xc8: {  	[sflag:s3] =	ssyncset.done $0x0  }
0xc9: {  	s0 =	rddreg [dreg:$0x13];
	[sflag:s3] =	ssyncadd.s32 $0xFFFFC000  }
0xca: {  	[hbm4b:s0+s5] =	stream.strided.scatter [tilespmem:s4], [sflag:$0x3], $0x4000, s8, s5, $0x38;
	[tilespmem:$0x9900] =	vst v63  }
0xcb: {  	_ =	swait.ge [sflag:s6], $0x4000  }
0xcc: {  	[sflag:s6] =	ssyncset.done $0x0  }
0xcd: {  	[sflag:s6] =	ssyncadd.s32 $0xFFFFC000  }
0xce: {  	[tilespmem:s4], [sflag:$0x1] =	stream.indirect.gather [hbm4b:s2+s9], $0x40, s19, s9, $0xb8;
	[tilespmem:$0x9900] =	vst v63  }
0xcf: {  	_ =	swait.ge [sflag:s11], $0x4000  }
0xd0: {  	[sflag:s11] =	ssyncset.done $0x0  }
0xd1: {  	s0 =	rddreg [dreg:$0x14];
	[sflag:s11] =	ssyncadd.s32 $0xFFFFC000  }
0xd2: {  	[hbm4b:s0+s5] =	stream.strided.scatter [tilespmem:s7], [sflag:$0x4], $0x4000, s8, s5, $0x38;
	[tilespmem:$0x9900] =	vst v63  }
0xd3: {  	_ =	swait.ge [sflag:s10], $0x4000  }
0xd4: {  	[sflag:s10] =	ssyncset.done $0x0  }
0xd5: {  	[sflag:s10] =	ssyncadd.s32 $0xFFFFC000  }
0xd6: {  	[tilespmem:s7], [sflag:$0x2] =	stream.indirect.gather [hbm4b:s2+s9], $0x40, s17, s9, $0xb8;
	[tilespmem:$0x9900] =	vst v63  }
0xd7: {  	_ =	swait.ge [sflag:s3], $0x4000  }
0xd8: {  	[sflag:s3] =	ssyncset.done $0x0  }
0xd9: {  	s0 =	rddreg [dreg:$0x15];
	[sflag:s3] =	ssyncadd.s32 $0xFFFFC000  }
0xda: {  	[hbm4b:s0+s5] =	stream.strided.scatter [tilespmem:s4], [sflag:$0x3], $0x4000, s8, s5, $0x38;
	[tilespmem:$0x9900] =	vst v63  }
0xdb: {  	_ =	swait.ge [sflag:s6], $0x4000  }
0xdc: {  	[sflag:s6] =	ssyncset.done $0x0  }
0xdd: {  	[sflag:s6] =	ssyncadd.s32 $0xFFFFC000  }
0xde: {  	[tilespmem:s4], [sflag:$0x1] =	stream.indirect.gather [hbm4b:s2+s9], $0x40, s16, s9, $0xb8;
	[tilespmem:$0x9900] =	vst v63  }
0xdf: {  	_ =	swait.ge [sflag:s11], $0x4000  }
0xe0: {  	[sflag:s11] =	ssyncset.done $0x0  }
0xe1: {  	s0 =	rddreg [dreg:$0x16];
	[sflag:s11] =	ssyncadd.s32 $0xFFFFC000  }
0xe2: {  	[hbm4b:s0+s5] =	stream.strided.scatter [tilespmem:s7], [sflag:$0x4], $0x4000, s8, s5, $0x38;
	[tilespmem:$0x9900] =	vst v63  }
0xe3: {  	_ =	swait.ge [sflag:s10], $0x4000  }
0xe4: {  	[sflag:s10] =	ssyncset.done $0x0  }
0xe5: {  	[sflag:s10] =	ssyncadd.s32 $0xFFFFC000  }
0xe6: {  	[tilespmem:s7], [sflag:$0x2] =	stream.indirect.gather [hbm4b:s2+s9], $0x40, s15, s9, $0xb8;
	[tilespmem:$0x9900] =	vst v63  }
0xe7: {  	_ =	swait.ge [sflag:s3], $0x4000  }
0xe8: {  	[sflag:s3] =	ssyncset.done $0x0  }
0xe9: {  	s0 =	rddreg [dreg:$0x17];
	[sflag:s3] =	ssyncadd.s32 $0xFFFFC000  }
0xea: {  	[hbm4b:s0+s5] =	stream.strided.scatter [tilespmem:s4], [sflag:$0x3], $0x4000, s8, s5, $0x38;
	[tilespmem:$0x9900] =	vst v63  }
0xeb: {  	_ =	swait.ge [sflag:s6], $0x4000  }
0xec: {  	[sflag:s6] =	ssyncset.done $0x0  }
0xed: {  	[sflag:s6] =	ssyncadd.s32 $0xFFFFC000  }
0xee: {  	[tilespmem:s4], [sflag:$0x1] =	stream.indirect.gather [hbm4b:s2+s9], $0x40, s14, s9, $0xb8;
	[tilespmem:$0x9900] =	vst v63  }
0xef: {  	_ =	swait.ge [sflag:s11], $0x4000  }
0xf0: {  	[sflag:s11] =	ssyncset.done $0x0  }
0xf1: {  	s0 =	rddreg [dreg:$0x18];
	[sflag:s11] =	ssyncadd.s32 $0xFFFFC000  }
0xf2: {  	[hbm4b:s0+s5] =	stream.strided.scatter [tilespmem:s7], [sflag:$0x4], $0x4000, s8, s5, $0x38;
	[tilespmem:$0x9900] =	vst v63  }
0xf3: {  	_ =	swait.ge [sflag:s10], $0x4000  }
0xf4: {  	[sflag:s10] =	ssyncset.done $0x0  }
0xf5: {  	[sflag:s10] =	ssyncadd.s32 $0xFFFFC000  }
0xf6: {  	[tilespmem:s7], [sflag:$0x2] =	stream.indirect.gather [hbm4b:s2+s9], $0x40, s13, s9, $0xb8;
	[tilespmem:$0x9900] =	vst v63  }
0xf7: {  	_ =	swait.ge [sflag:s3], $0x4000  }
0xf8: {  	[sflag:s3] =	ssyncset.done $0x0  }
0xf9: {  	s0 =	rddreg [dreg:$0x19];
	[sflag:s3] =	ssyncadd.s32 $0xFFFFC000  }
0xfa: {  	[hbm4b:s0+s5] =	stream.strided.scatter [tilespmem:s4], [sflag:$0x3], $0x4000, s8, s5, $0x38;
	[tilespmem:$0x9900] =	vst v63  }
0xfb: {  	_ =	swait.ge [sflag:s6], $0x4000  }
0xfc: {  	[sflag:s6] =	ssyncset.done $0x0  }
0xfd: {  	[sflag:s6] =	ssyncadd.s32 $0xFFFFC000  }
0xfe: {  	[tilespmem:s4], [sflag:$0x1] =	stream.indirect.gather [hbm4b:s2+s9], $0x40, s12, s9, $0xb8;
	[tilespmem:$0x9900] =	vst v63  }
0xff: {  	_ =	swait.ge [sflag:s11], $0x4000  }
0x100: {  	[sflag:s11] =	ssyncset.done $0x0  }
0x101: {  	s0 =	rddreg [dreg:$0x1a];
	[sflag:s11] =	ssyncadd.s32 $0xFFFFC000  }
0x102: {  	[hbm4b:s0+s5] =	stream.strided.scatter [tilespmem:s7], [sflag:$0x4], $0x4000, s8, s5, $0x38;
	[tilespmem:$0x9900] =	vst v63  }
0x103: {  	_ =	swait.ge [sflag:s3], $0x4000  }
0x104: {  	[sflag:s3] =	ssyncset.done $0x0  }
0x105: {  	p1 =	sne.s32 s1, $0x1;
	s0 =	rddreg [dreg:$0x1b];
	[sflag:s3] =	ssyncadd.s32 $0xFFFFC000  }
0x106: {  	[hbm4b:s0+s5] =	stream.strided.scatter [tilespmem:s4], [sflag:$0x3], $0x4000, s8, s5, $0x38;
	[tilespmem:$0x9900] =	vst v63  }
.Ltmp1:
0x107: {  	_ =	swait.ge [sflag:s10], $0x4000;
	(pc) =	sbr.rel @!p1 .LBB2_3-.Ltmp1, $4  }
0x108: {  	[sflag:s10] =	ssyncset.done $0x0  }
0x109: {  	[sflag:s10] =	ssyncadd.s32 $0xFFFFC000  }
0x10a: {  	s1 =	sadd.s32 $0xFFFFFFFF, s1;
	_ =	swait.ge [sflag:s6], $0x4000  }
0x10b: {  	p0 =	por $0x1, $0x1;
	s0 =	rddreg [dreg:$0x2];
	[sflag:s6] =	ssyncset.done $0x0  }
.LBB2_2:
0x10c: {  	[sflag:s6] =	ssyncadd.s32 $0xFFFFC000  }
0x10d: {  	[tilespmem:s18], [sflag:$0x5] =	stream.strided.gather [hbm4b:s0+s9], $0x1900, s30, s9, $0x38;
	[tilespmem:$0x9900] =	vst v63  }
0x10e: {  	_ =	swait.ge [sflag:s31], $0x1900  }
0x10f: {  	[sflag:s31] =	ssyncset.done $0x0  }
0x110: {  	[sflag:s31] =	ssyncadd.s32 $0xFFFFE700  }
0x111: {  	[tilespmem:s4], [sflag:$0x1] =	stream.indirect.gather [hbm4b:s2+s9], $0x40, s18, s9, $0xb8;
	[tilespmem:$0x9900] =	vst v63  }
0x112: {  	_ = 	snop  }
0x113: {  	[tilespmem:s7], [sflag:$0x2] =	stream.indirect.gather [hbm4b:s2+s9], $0x40, s9, s9, $0xb8;
	[tilespmem:$0x9900] =	vst v63  }
0x114: {  	_ =	swait.ge [sflag:s3], $0x4000  }
0x115: {  	[sflag:s3] =	ssyncset.done $0x0  }
0x116: {  	s0 =	rddreg [dreg:$0x3];
	[sflag:s3] =	ssyncadd.s32 $0xFFFFC000  }
0x117: {  	[hbm4b:s0+s5] =	stream.strided.scatter [tilespmem:s4], [sflag:$0x3], $0x4000, s8, s5, $0x38;
	[tilespmem:$0x9900] =	vst v63  }
0x118: {  	_ =	swait.ge [sflag:s6], $0x4000  }
0x119: {  	[sflag:s6] =	ssyncset.done $0x0  }
0x11a: {  	s0 =	rddreg [dreg:$0x1c];
	[sflag:s6] =	ssyncadd.s32 $0xFFFFC000  }
0x11b: {  	[tilespmem:s4], [sflag:$0x1] =	stream.indirect.gather [hbm4b:s2+s9], $0x40, s0, s9, $0xb8;
	[tilespmem:$0x9900] =	vst v63  }
0x11c: {  	_ =	swait.ge [sflag:s11], $0x4000  }
0x11d: {  	[sflag:s11] =	ssyncset.done $0x0  }
0x11e: {  	s0 =	rddreg [dreg:$0x4];
	[sflag:s11] =	ssyncadd.s32 $0xFFFFC000  }
0x11f: {  	[hbm4b:s0+s5] =	stream.strided.scatter [tilespmem:s7], [sflag:$0x4], $0x4000, s8, s5, $0x38;
	[tilespmem:$0x9900] =	vst v63  }
0x120: {  	_ =	swait.ge [sflag:s10], $0x4000  }
0x121: {  	[sflag:s10] =	ssyncset.done $0x0  }
0x122: {  	s0 =	rddreg [dreg:$0x1d];
	[sflag:s10] =	ssyncadd.s32 $0xFFFFC000  }
0x123: {  	[tilespmem:s7], [sflag:$0x2] =	stream.indirect.gather [hbm4b:s2+s9], $0x40, s0, s9, $0xb8;
	[tilespmem:$0x9900] =	vst v63  }
0x124: {  	_ =	swait.ge [sflag:s3], $0x4000  }
0x125: {  	[sflag:s3] =	ssyncset.done $0x0  }
0x126: {  	s0 =	rddreg [dreg:$0x5];
	[sflag:s3] =	ssyncadd.s32 $0xFFFFC000  }
0x127: {  	[hbm4b:s0+s5] =	stream.strided.scatter [tilespmem:s4], [sflag:$0x3], $0x4000, s8, s5, $0x38;
	[tilespmem:$0x9900] =	vst v63  }
0x128: {  	_ =	swait.ge [sflag:s6], $0x4000  }
0x129: {  	[sflag:s6] =	ssyncset.done $0x0  }
0x12a: {  	[sflag:s6] =	ssyncadd.s32 $0xFFFFC000  }
0x12b: {  	[tilespmem:s4], [sflag:$0x1] =	stream.indirect.gather [hbm4b:s2+s9], $0x40, s30, s9, $0xb8;
	[tilespmem:$0x9900] =	vst v63  }
0x12c: {  	_ =	swait.ge [sflag:s11], $0x4000  }
0x12d: {  	[sflag:s11] =	ssyncset.done $0x0  }
0x12e: {  	s0 =	rddreg [dreg:$0x6];
	[sflag:s11] =	ssyncadd.s32 $0xFFFFC000  }
0x12f: {  	[hbm4b:s0+s5] =	stream.strided.scatter [tilespmem:s7], [sflag:$0x4], $0x4000, s8, s5, $0x38;
	[tilespmem:$0x9900] =	vst v63  }
0x130: {  	_ =	swait.ge [sflag:s10], $0x4000  }
0x131: {  	[sflag:s10] =	ssyncset.done $0x0  }
0x132: {  	s0 =	rddreg [dreg:$0x1e];
	[sflag:s10] =	ssyncadd.s32 $0xFFFFC000  }
0x133: {  	[tilespmem:s7], [sflag:$0x2] =	stream.indirect.gather [hbm4b:s2+s9], $0x40, s0, s9, $0xb8;
	[tilespmem:$0x9900] =	vst v63  }
0x134: {  	_ =	swait.ge [sflag:s3], $0x4000  }
0x135: {  	[sflag:s3] =	ssyncset.done $0x0  }
0x136: {  	s0 =	rddreg [dreg:$0x7];
	[sflag:s3] =	ssyncadd.s32 $0xFFFFC000  }
0x137: {  	[hbm4b:s0+s5] =	stream.strided.scatter [tilespmem:s4], [sflag:$0x3], $0x4000, s8, s5, $0x38;
	[tilespmem:$0x9900] =	vst v63  }
0x138: {  	_ =	swait.ge [sflag:s6], $0x4000  }
0x139: {  	[sflag:s6] =	ssyncset.done $0x0  }
0x13a: {  	s0 =	rddreg [dreg:$0x1f];
	[sflag:s6] =	ssyncadd.s32 $0xFFFFC000  }
0x13b: {  	[tilespmem:s4], [sflag:$0x1] =	stream.indirect.gather [hbm4b:s2+s9], $0x40, s0, s9, $0xb8;
	[tilespmem:$0x9900] =	vst v63  }
0x13c: {  	_ =	swait.ge [sflag:s11], $0x4000  }
0x13d: {  	[sflag:s11] =	ssyncset.done $0x0  }
0x13e: {  	s0 =	rddreg [dreg:$0x8];
	[sflag:s11] =	ssyncadd.s32 $0xFFFFC000  }
0x13f: {  	[hbm4b:s0+s5] =	stream.strided.scatter [tilespmem:s7], [sflag:$0x4], $0x4000, s8, s5, $0x38;
	[tilespmem:$0x9900] =	vst v63  }
0x140: {  	_ =	swait.ge [sflag:s10], $0x4000  }
0x141: {  	s0 =	sld [smem:$0x7FC]  }
0x142: {  	[sflag:s10] =	ssyncset.done $0x0  }
0x143: {  	[sflag:s10] =	ssyncadd.s32 $0xFFFFC000  }
0x144: {  	[tilespmem:s7], [sflag:$0x2] =	stream.indirect.gather [hbm4b:s2+s9], $0x40, s0, s9, $0xb8;
	[tilespmem:$0x9900] =	vst v63  }
0x145: {  	_ =	swait.ge [sflag:s3], $0x4000  }
0x146: {  	[sflag:s3] =	ssyncset.done $0x0  }
0x147: {  	s0 =	rddreg [dreg:$0x9];
	[sflag:s3] =	ssyncadd.s32 $0xFFFFC000  }
0x148: {  	[hbm4b:s0+s5] =	stream.strided.scatter [tilespmem:s4], [sflag:$0x3], $0x4000, s8, s5, $0x38;
	[tilespmem:$0x9900] =	vst v63  }
0x149: {  	_ =	swait.ge [sflag:s6], $0x4000  }
0x14a: {  	s0 =	sld [smem:$0x7FD]  }
0x14b: {  	[sflag:s6] =	ssyncset.done $0x0  }
0x14c: {  	[sflag:s6] =	ssyncadd.s32 $0xFFFFC000  }
0x14d: {  	[tilespmem:s4], [sflag:$0x1] =	stream.indirect.gather [hbm4b:s2+s9], $0x40, s0, s9, $0xb8;
	[tilespmem:$0x9900] =	vst v63  }
0x14e: {  	_ =	swait.ge [sflag:s11], $0x4000  }
0x14f: {  	[sflag:s11] =	ssyncset.done $0x0  }
0x150: {  	s0 =	rddreg [dreg:$0xa];
	[sflag:s11] =	ssyncadd.s32 $0xFFFFC000  }
0x151: {  	[hbm4b:s0+s5] =	stream.strided.scatter [tilespmem:s7], [sflag:$0x4], $0x4000, s8, s5, $0x38;
	[tilespmem:$0x9900] =	vst v63  }
0x152: {  	_ =	swait.ge [sflag:s10], $0x4000  }
0x153: {  	[sflag:s10] =	ssyncset.done $0x0  }
0x154: {  	[sflag:s10] =	ssyncadd.s32 $0xFFFFC000  }
0x155: {  	[tilespmem:s7], [sflag:$0x2] =	stream.indirect.gather [hbm4b:s2+s9], $0x40, s29, s9, $0xb8;
	[tilespmem:$0x9900] =	vst v63  }
0x156: {  	_ =	swait.ge [sflag:s3], $0x4000  }
0x157: {  	[sflag:s3] =	ssyncset.done $0x0  }
0x158: {  	s0 =	rddreg [dreg:$0xb];
	[sflag:s3] =	ssyncadd.s32 $0xFFFFC000  }
0x159: {  	[hbm4b:s0+s5] =	stream.strided.scatter [tilespmem:s4], [sflag:$0x3], $0x4000, s8, s5, $0x38;
	[tilespmem:$0x9900] =	vst v63  }
0x15a: {  	_ =	swait.ge [sflag:s6], $0x4000  }
0x15b: {  	[sflag:s6] =	ssyncset.done $0x0  }
0x15c: {  	[sflag:s6] =	ssyncadd.s32 $0xFFFFC000  }
0x15d: {  	[tilespmem:s4], [sflag:$0x1] =	stream.indirect.gather [hbm4b:s2+s9], $0x40, s28, s9, $0xb8;
	[tilespmem:$0x9900] =	vst v63  }
0x15e: {  	_ =	swait.ge [sflag:s11], $0x4000  }
0x15f: {  	[sflag:s11] =	ssyncset.done $0x0  }
0x160: {  	s0 =	rddreg [dreg:$0xc];
	[sflag:s11] =	ssyncadd.s32 $0xFFFFC000  }
0x161: {  	[hbm4b:s0+s5] =	stream.strided.scatter [tilespmem:s7], [sflag:$0x4], $0x4000, s8, s5, $0x38;
	[tilespmem:$0x9900] =	vst v63  }
0x162: {  	_ =	swait.ge [sflag:s10], $0x4000  }
0x163: {  	[sflag:s10] =	ssyncset.done $0x0  }
0x164: {  	[sflag:s10] =	ssyncadd.s32 $0xFFFFC000  }
0x165: {  	[tilespmem:s7], [sflag:$0x2] =	stream.indirect.gather [hbm4b:s2+s9], $0x40, s26, s9, $0xb8;
	[tilespmem:$0x9900] =	vst v63  }
0x166: {  	_ =	swait.ge [sflag:s3], $0x4000  }
0x167: {  	[sflag:s3] =	ssyncset.done $0x0  }
0x168: {  	s0 =	rddreg [dreg:$0xd];
	[sflag:s3] =	ssyncadd.s32 $0xFFFFC000  }
0x169: {  	[hbm4b:s0+s5] =	stream.strided.scatter [tilespmem:s4], [sflag:$0x3], $0x4000, s8, s5, $0x38;
	[tilespmem:$0x9900] =	vst v63  }
0x16a: {  	_ =	swait.ge [sflag:s6], $0x4000  }
0x16b: {  	[sflag:s6] =	ssyncset.done $0x0  }
0x16c: {  	[sflag:s6] =	ssyncadd.s32 $0xFFFFC000  }
0x16d: {  	[tilespmem:s4], [sflag:$0x1] =	stream.indirect.gather [hbm4b:s2+s9], $0x40, s25, s9, $0xb8;
	[tilespmem:$0x9900] =	vst v63  }
0x16e: {  	_ =	swait.ge [sflag:s11], $0x4000  }
0x16f: {  	[sflag:s11] =	ssyncset.done $0x0  }
0x170: {  	s0 =	rddreg [dreg:$0xe];
	[sflag:s11] =	ssyncadd.s32 $0xFFFFC000  }
0x171: {  	[hbm4b:s0+s5] =	stream.strided.scatter [tilespmem:s7], [sflag:$0x4], $0x4000, s8, s5, $0x38;
	[tilespmem:$0x9900] =	vst v63  }
0x172: {  	_ =	swait.ge [sflag:s10], $0x4000  }
0x173: {  	[sflag:s10] =	ssyncset.done $0x0  }
0x174: {  	[sflag:s10] =	ssyncadd.s32 $0xFFFFC000  }
0x175: {  	[tilespmem:s7], [sflag:$0x2] =	stream.indirect.gather [hbm4b:s2+s9], $0x40, s24, s9, $0xb8;
	[tilespmem:$0x9900] =	vst v63  }
0x176: {  	_ =	swait.ge [sflag:s3], $0x4000  }
0x177: {  	[sflag:s3] =	ssyncset.done $0x0  }
0x178: {  	s0 =	rddreg [dreg:$0xf];
	[sflag:s3] =	ssyncadd.s32 $0xFFFFC000  }
0x179: {  	[hbm4b:s0+s5] =	stream.strided.scatter [tilespmem:s4], [sflag:$0x3], $0x4000, s8, s5, $0x38;
	[tilespmem:$0x9900] =	vst v63  }
0x17a: {  	_ =	swait.ge [sflag:s6], $0x4000  }
0x17b: {  	[sflag:s6] =	ssyncset.done $0x0  }
0x17c: {  	[sflag:s6] =	ssyncadd.s32 $0xFFFFC000  }
0x17d: {  	[tilespmem:s4], [sflag:$0x1] =	stream.indirect.gather [hbm4b:s2+s9], $0x40, s23, s9, $0xb8;
	[tilespmem:$0x9900] =	vst v63  }
0x17e: {  	_ =	swait.ge [sflag:s11], $0x4000  }
0x17f: {  	[sflag:s11] =	ssyncset.done $0x0  }
0x180: {  	s0 =	rddreg [dreg:$0x10];
	[sflag:s11] =	ssyncadd.s32 $0xFFFFC000  }
0x181: {  	[hbm4b:s0+s5] =	stream.strided.scatter [tilespmem:s7], [sflag:$0x4], $0x4000, s8, s5, $0x38;
	[tilespmem:$0x9900] =	vst v63  }
0x182: {  	_ =	swait.ge [sflag:s10], $0x4000  }
0x183: {  	[sflag:s10] =	ssyncset.done $0x0  }
0x184: {  	[sflag:s10] =	ssyncadd.s32 $0xFFFFC000  }
0x185: {  	[tilespmem:s7], [sflag:$0x2] =	stream.indirect.gather [hbm4b:s2+s9], $0x40, s22, s9, $0xb8;
	[tilespmem:$0x9900] =	vst v63  }
0x186: {  	_ =	swait.ge [sflag:s3], $0x4000  }
0x187: {  	[sflag:s3] =	ssyncset.done $0x0  }
0x188: {  	s0 =	rddreg [dreg:$0x11];
	[sflag:s3] =	ssyncadd.s32 $0xFFFFC000  }
0x189: {  	[hbm4b:s0+s5] =	stream.strided.scatter [tilespmem:s4], [sflag:$0x3], $0x4000, s8, s5, $0x38;
	[tilespmem:$0x9900] =	vst v63  }
0x18a: {  	_ =	swait.ge [sflag:s6], $0x4000  }
0x18b: {  	[sflag:s6] =	ssyncset.done $0x0  }
0x18c: {  	[sflag:s6] =	ssyncadd.s32 $0xFFFFC000  }
0x18d: {  	[tilespmem:s4], [sflag:$0x1] =	stream.indirect.gather [hbm4b:s2+s9], $0x40, s21, s9, $0xb8;
	[tilespmem:$0x9900] =	vst v63  }
0x18e: {  	_ =	swait.ge [sflag:s11], $0x4000  }
0x18f: {  	[sflag:s11] =	ssyncset.done $0x0  }
0x190: {  	s0 =	rddreg [dreg:$0x12];
	[sflag:s11] =	ssyncadd.s32 $0xFFFFC000  }
0x191: {  	[hbm4b:s0+s5] =	stream.strided.scatter [tilespmem:s7], [sflag:$0x4], $0x4000, s8, s5, $0x38;
	[tilespmem:$0x9900] =	vst v63  }
0x192: {  	_ =	swait.ge [sflag:s10], $0x4000  }
0x193: {  	[sflag:s10] =	ssyncset.done $0x0  }
0x194: {  	[sflag:s10] =	ssyncadd.s32 $0xFFFFC000  }
0x195: {  	[tilespmem:s7], [sflag:$0x2] =	stream.indirect.gather [hbm4b:s2+s9], $0x40, s20, s9, $0xb8;
	[tilespmem:$0x9900] =	vst v63  }
0x196: {  	_ =	swait.ge [sflag:s3], $0x4000  }
0x197: {  	[sflag:s3] =	ssyncset.done $0x0  }
0x198: {  	s0 =	rddreg [dreg:$0x13];
	[sflag:s3] =	ssyncadd.s32 $0xFFFFC000  }
0x199: {  	[hbm4b:s0+s5] =	stream.strided.scatter [tilespmem:s4], [sflag:$0x3], $0x4000, s8, s5, $0x38;
	[tilespmem:$0x9900] =	vst v63  }
0x19a: {  	_ =	swait.ge [sflag:s6], $0x4000  }
0x19b: {  	[sflag:s6] =	ssyncset.done $0x0  }
0x19c: {  	[sflag:s6] =	ssyncadd.s32 $0xFFFFC000  }
0x19d: {  	[tilespmem:s4], [sflag:$0x1] =	stream.indirect.gather [hbm4b:s2+s9], $0x40, s19, s9, $0xb8;
	[tilespmem:$0x9900] =	vst v63  }
0x19e: {  	_ =	swait.ge [sflag:s11], $0x4000  }
0x19f: {  	[sflag:s11] =	ssyncset.done $0x0  }
0x1a0: {  	s0 =	rddreg [dreg:$0x14];
	[sflag:s11] =	ssyncadd.s32 $0xFFFFC000  }
0x1a1: {  	[hbm4b:s0+s5] =	stream.strided.scatter [tilespmem:s7], [sflag:$0x4], $0x4000, s8, s5, $0x38;
	[tilespmem:$0x9900] =	vst v63  }
0x1a2: {  	_ =	swait.ge [sflag:s10], $0x4000  }
0x1a3: {  	[sflag:s10] =	ssyncset.done $0x0  }
0x1a4: {  	[sflag:s10] =	ssyncadd.s32 $0xFFFFC000  }
0x1a5: {  	[tilespmem:s7], [sflag:$0x2] =	stream.indirect.gather [hbm4b:s2+s9], $0x40, s17, s9, $0xb8;
	[tilespmem:$0x9900] =	vst v63  }
0x1a6: {  	_ =	swait.ge [sflag:s3], $0x4000  }
0x1a7: {  	[sflag:s3] =	ssyncset.done $0x0  }
0x1a8: {  	s0 =	rddreg [dreg:$0x15];
	[sflag:s3] =	ssyncadd.s32 $0xFFFFC000  }
0x1a9: {  	[hbm4b:s0+s5] =	stream.strided.scatter [tilespmem:s4], [sflag:$0x3], $0x4000, s8, s5, $0x38;
	[tilespmem:$0x9900] =	vst v63  }
0x1aa: {  	_ =	swait.ge [sflag:s6], $0x4000  }
0x1ab: {  	[sflag:s6] =	ssyncset.done $0x0  }
0x1ac: {  	[sflag:s6] =	ssyncadd.s32 $0xFFFFC000  }
0x1ad: {  	[tilespmem:s4], [sflag:$0x1] =	stream.indirect.gather [hbm4b:s2+s9], $0x40, s16, s9, $0xb8;
	[tilespmem:$0x9900] =	vst v63  }
0x1ae: {  	_ =	swait.ge [sflag:s11], $0x4000  }
0x1af: {  	[sflag:s11] =	ssyncset.done $0x0  }
0x1b0: {  	s0 =	rddreg [dreg:$0x16];
	[sflag:s11] =	ssyncadd.s32 $0xFFFFC000  }
0x1b1: {  	[hbm4b:s0+s5] =	stream.strided.scatter [tilespmem:s7], [sflag:$0x4], $0x4000, s8, s5, $0x38;
	[tilespmem:$0x9900] =	vst v63  }
0x1b2: {  	_ =	swait.ge [sflag:s10], $0x4000  }
0x1b3: {  	[sflag:s10] =	ssyncset.done $0x0  }
0x1b4: {  	[sflag:s10] =	ssyncadd.s32 $0xFFFFC000  }
0x1b5: {  	[tilespmem:s7], [sflag:$0x2] =	stream.indirect.gather [hbm4b:s2+s9], $0x40, s15, s9, $0xb8;
	[tilespmem:$0x9900] =	vst v63  }
0x1b6: {  	_ =	swait.ge [sflag:s3], $0x4000  }
0x1b7: {  	[sflag:s3] =	ssyncset.done $0x0  }
0x1b8: {  	s0 =	rddreg [dreg:$0x17];
	[sflag:s3] =	ssyncadd.s32 $0xFFFFC000  }
0x1b9: {  	[hbm4b:s0+s5] =	stream.strided.scatter [tilespmem:s4], [sflag:$0x3], $0x4000, s8, s5, $0x38;
	[tilespmem:$0x9900] =	vst v63  }
0x1ba: {  	_ =	swait.ge [sflag:s6], $0x4000  }
0x1bb: {  	[sflag:s6] =	ssyncset.done $0x0  }
0x1bc: {  	[sflag:s6] =	ssyncadd.s32 $0xFFFFC000  }
0x1bd: {  	[tilespmem:s4], [sflag:$0x1] =	stream.indirect.gather [hbm4b:s2+s9], $0x40, s14, s9, $0xb8;
	[tilespmem:$0x9900] =	vst v63  }
0x1be: {  	_ =	swait.ge [sflag:s11], $0x4000  }
0x1bf: {  	[sflag:s11] =	ssyncset.done $0x0  }
0x1c0: {  	s0 =	rddreg [dreg:$0x18];
	[sflag:s11] =	ssyncadd.s32 $0xFFFFC000  }
0x1c1: {  	[hbm4b:s0+s5] =	stream.strided.scatter [tilespmem:s7], [sflag:$0x4], $0x4000, s8, s5, $0x38;
	[tilespmem:$0x9900] =	vst v63  }
0x1c2: {  	_ =	swait.ge [sflag:s10], $0x4000  }
0x1c3: {  	[sflag:s10] =	ssyncset.done $0x0  }
0x1c4: {  	[sflag:s10] =	ssyncadd.s32 $0xFFFFC000  }
0x1c5: {  	[tilespmem:s7], [sflag:$0x2] =	stream.indirect.gather [hbm4b:s2+s9], $0x40, s13, s9, $0xb8;
	[tilespmem:$0x9900] =	vst v63  }
0x1c6: {  	_ =	swait.ge [sflag:s3], $0x4000  }
0x1c7: {  	[sflag:s3] =	ssyncset.done $0x0  }
0x1c8: {  	s0 =	rddreg [dreg:$0x19];
	[sflag:s3] =	ssyncadd.s32 $0xFFFFC000  }
0x1c9: {  	[hbm4b:s0+s5] =	stream.strided.scatter [tilespmem:s4], [sflag:$0x3], $0x4000, s8, s5, $0x38;
	[tilespmem:$0x9900] =	vst v63  }
0x1ca: {  	_ =	swait.ge [sflag:s6], $0x4000  }
0x1cb: {  	[sflag:s6] =	ssyncset.done $0x0  }
0x1cc: {  	[sflag:s6] =	ssyncadd.s32 $0xFFFFC000  }
0x1cd: {  	[tilespmem:s4], [sflag:$0x1] =	stream.indirect.gather [hbm4b:s2+s9], $0x40, s12, s9, $0xb8;
	[tilespmem:$0x9900] =	vst v63  }
0x1ce: {  	_ =	swait.ge [sflag:s11], $0x4000  }
0x1cf: {  	[sflag:s11] =	ssyncset.done $0x0  }
0x1d0: {  	s0 =	rddreg [dreg:$0x1a];
	[sflag:s11] =	ssyncadd.s32 $0xFFFFC000  }
0x1d1: {  	[hbm4b:s0+s5] =	stream.strided.scatter [tilespmem:s7], [sflag:$0x4], $0x4000, s8, s5, $0x38;
	[tilespmem:$0x9900] =	vst v63  }
0x1d2: {  	_ =	swait.ge [sflag:s3], $0x4000  }
0x1d3: {  	[sflag:s3] =	ssyncset.done $0x0  }
0x1d4: {  	p1 =	sne.s32 s1, $0x1;
	s0 =	rddreg [dreg:$0x1b];
	[sflag:s3] =	ssyncadd.s32 $0xFFFFC000  }
0x1d5: {  	[hbm4b:s0+s5] =	stream.strided.scatter [tilespmem:s4], [sflag:$0x3], $0x4000, s8, s5, $0x38;
	[tilespmem:$0x9900] =	vst v63  }
.Ltmp2:
0x1d6: {  	_ =	swait.ge [sflag:s10], $0x4000;
	(pc) =	sbr.rel @p1 .LBB2_2-.Ltmp2, $4  }
0x1d7: {  	[sflag:s10] =	ssyncset.done $0x0  }
0x1d8: {  	[sflag:s10] =	ssyncadd.s32 $0xFFFFC000  }
0x1d9: {  	_ =	swait.ge [sflag:s6], $0x4000  }
0x1da: {  	s1 =	sadd.s32 $0xFFFFFFFF, s1;
	s0 =	rddreg [dreg:$0x2];
	[sflag:s6] =	ssyncset.done $0x0  }
.LBB2_3:
0x1db: {  	[sflag:s6] =	ssyncadd.s32 @p0 $0xFFFFC000  }
0x1dc: {  	[tilespmem:s18], [sflag:$0x5] =	stream.strided.gather [hbm4b:s0+s9], $0x1900, s30, s9, $0x38;
	[tilespmem:$0x9900] =	vst v63  }
0x1dd: {  	_ =	swait.ge [sflag:s31], $0x1900  }
0x1de: {  	[sflag:s31] =	ssyncset.done $0x0  }
0x1df: {  	[sflag:s31] =	ssyncadd.s32 $0xFFFFE700  }
0x1e0: {  	[tilespmem:s4], [sflag:$0x1] =	stream.indirect.gather [hbm4b:s2+s9], $0x40, s18, s9, $0xb8;
	[tilespmem:$0x9900] =	vst v63  }
0x1e1: {  	_ = 	snop  }
0x1e2: {  	[tilespmem:s7], [sflag:$0x2] =	stream.indirect.gather [hbm4b:s2+s9], $0x40, s9, s9, $0xb8;
	[tilespmem:$0x9900] =	vst v63  }
0x1e3: {  	_ =	swait.ge [sflag:s3], $0x4000  }
0x1e4: {  	[sflag:s3] =	ssyncset.done $0x0  }
0x1e5: {  	s1 =	rddreg [dreg:$0x3];
	[sflag:s3] =	ssyncadd.s32 $0xFFFFC000  }
0x1e6: {  	[hbm4b:s1+s5] =	stream.strided.scatter [tilespmem:s4], [sflag:$0x3], $0x4000, s8, s5, $0x38;
	[tilespmem:$0x9900] =	vst v63  }
0x1e7: {  	_ =	swait.ge [sflag:s6], $0x4000  }
0x1e8: {  	[sflag:s6] =	ssyncset.done $0x0  }
0x1e9: {  	s18 =	rddreg [dreg:$0x1c];
	[sflag:s6] =	ssyncadd.s32 $0xFFFFC000  }
0x1ea: {  	[tilespmem:s4], [sflag:$0x1] =	stream.indirect.gather [hbm4b:s2+s9], $0x40, s18, s9, $0xb8;
	[tilespmem:$0x9900] =	vst v63  }
0x1eb: {  	_ =	swait.ge [sflag:s11], $0x4000  }
0x1ec: {  	[sflag:s11] =	ssyncset.done $0x0  }
0x1ed: {  	s31 =	rddreg [dreg:$0x4];
	[sflag:s11] =	ssyncadd.s32 $0xFFFFC000  }
0x1ee: {  	[hbm4b:s31+s5] =	stream.strided.scatter [tilespmem:s7], [sflag:$0x4], $0x4000, s8, s5, $0x38;
	[tilespmem:$0x9900] =	vst v63  }
0x1ef: {  	_ =	swait.ge [sflag:s10], $0x4000  }
0x1f0: {  	[sflag:s10] =	ssyncset.done $0x0  }
0x1f1: {  	s1 =	rddreg [dreg:$0x1d];
	[sflag:s10] =	ssyncadd.s32 $0xFFFFC000  }
0x1f2: {  	[tilespmem:s7], [sflag:$0x2] =	stream.indirect.gather [hbm4b:s2+s9], $0x40, s1, s9, $0xb8;
	[tilespmem:$0x9900] =	vst v63  }
0x1f3: {  	_ =	swait.ge [sflag:s3], $0x4000  }
0x1f4: {  	[sflag:s3] =	ssyncset.done $0x0  }
0x1f5: {  	s18 =	rddreg [dreg:$0x5];
	[sflag:s3] =	ssyncadd.s32 $0xFFFFC000  }
0x1f6: {  	[hbm4b:s18+s5] =	stream.strided.scatter [tilespmem:s4], [sflag:$0x3], $0x4000, s8, s5, $0x38;
	[tilespmem:$0x9900] =	vst v63  }
0x1f7: {  	_ =	swait.ge [sflag:s6], $0x4000  }
0x1f8: {  	[sflag:s6] =	ssyncset.done $0x0  }
0x1f9: {  	[sflag:s6] =	ssyncadd.s32 $0xFFFFC000  }
0x1fa: {  	[tilespmem:s4], [sflag:$0x1] =	stream.indirect.gather [hbm4b:s2+s9], $0x40, s30, s9, $0xb8;
	[tilespmem:$0x9900] =	vst v63  }
0x1fb: {  	_ =	swait.ge [sflag:s11], $0x4000  }
0x1fc: {  	[sflag:s11] =	ssyncset.done $0x0  }
0x1fd: {  	s31 =	rddreg [dreg:$0x6];
	[sflag:s11] =	ssyncadd.s32 $0xFFFFC000  }
0x1fe: {  	[hbm4b:s31+s5] =	stream.strided.scatter [tilespmem:s7], [sflag:$0x4], $0x4000, s8, s5, $0x38;
	[tilespmem:$0x9900] =	vst v63  }
0x1ff: {  	_ =	swait.ge [sflag:s10], $0x4000  }
0x200: {  	[sflag:s10] =	ssyncset.done $0x0  }
0x201: {  	s1 =	rddreg [dreg:$0x1e];
	[sflag:s10] =	ssyncadd.s32 $0xFFFFC000  }
0x202: {  	[tilespmem:s7], [sflag:$0x2] =	stream.indirect.gather [hbm4b:s2+s9], $0x40, s1, s9, $0xb8;
	[tilespmem:$0x9900] =	vst v63  }
0x203: {  	_ =	swait.ge [sflag:s3], $0x4000  }
0x204: {  	[sflag:s3] =	ssyncset.done $0x0  }
0x205: {  	s18 =	rddreg [dreg:$0x7];
	[sflag:s3] =	ssyncadd.s32 $0xFFFFC000  }
0x206: {  	[hbm4b:s18+s5] =	stream.strided.scatter [tilespmem:s4], [sflag:$0x3], $0x4000, s8, s5, $0x38;
	[tilespmem:$0x9900] =	vst v63  }
0x207: {  	_ =	swait.ge [sflag:s6], $0x4000  }
0x208: {  	[sflag:s6] =	ssyncset.done $0x0  }
0x209: {  	s30 =	rddreg [dreg:$0x1f];
	[sflag:s6] =	ssyncadd.s32 $0xFFFFC000  }
0x20a: {  	[tilespmem:s4], [sflag:$0x1] =	stream.indirect.gather [hbm4b:s2+s9], $0x40, s30, s9, $0xb8;
	[tilespmem:$0x9900] =	vst v63  }
0x20b: {  	_ =	swait.ge [sflag:s11], $0x4000  }
0x20c: {  	[sflag:s11] =	ssyncset.done $0x0  }
0x20d: {  	s31 =	rddreg [dreg:$0x8];
	[sflag:s11] =	ssyncadd.s32 $0xFFFFC000  }
0x20e: {  	[hbm4b:s31+s5] =	stream.strided.scatter [tilespmem:s7], [sflag:$0x4], $0x4000, s8, s5, $0x38;
	[tilespmem:$0x9900] =	vst v63  }
0x20f: {  	_ =	swait.ge [sflag:s10], $0x4000  }
0x210: {  	s1 =	sld [smem:$0x7FC]  }
0x211: {  	[sflag:s10] =	ssyncset.done $0x0  }
0x212: {  	[sflag:s10] =	ssyncadd.s32 $0xFFFFC000  }
0x213: {  	[tilespmem:s7], [sflag:$0x2] =	stream.indirect.gather [hbm4b:s2+s9], $0x40, s1, s9, $0xb8;
	[tilespmem:$0x9900] =	vst v63  }
0x214: {  	_ =	swait.ge [sflag:s3], $0x4000  }
0x215: {  	[sflag:s3] =	ssyncset.done $0x0  }
0x216: {  	s18 =	rddreg [dreg:$0x9];
	[sflag:s3] =	ssyncadd.s32 $0xFFFFC000  }
0x217: {  	[hbm4b:s18+s5] =	stream.strided.scatter [tilespmem:s4], [sflag:$0x3], $0x4000, s8, s5, $0x38;
	[tilespmem:$0x9900] =	vst v63  }
0x218: {  	_ =	swait.ge [sflag:s6], $0x4000  }
0x219: {  	s30 =	sld [smem:$0x7FD]  }
0x21a: {  	[sflag:s6] =	ssyncset.done $0x0  }
0x21b: {  	[sflag:s6] =	ssyncadd.s32 $0xFFFFC000  }
0x21c: {  	[tilespmem:s4], [sflag:$0x1] =	stream.indirect.gather [hbm4b:s2+s9], $0x40, s30, s9, $0xb8;
	[tilespmem:$0x9900] =	vst v63  }
0x21d: {  	_ =	swait.ge [sflag:s11], $0x4000  }
0x21e: {  	[sflag:s11] =	ssyncset.done $0x0  }
0x21f: {  	s31 =	rddreg [dreg:$0xa];
	[sflag:s11] =	ssyncadd.s32 $0xFFFFC000  }
0x220: {  	[hbm4b:s31+s5] =	stream.strided.scatter [tilespmem:s7], [sflag:$0x4], $0x4000, s8, s5, $0x38;
	[tilespmem:$0x9900] =	vst v63  }
0x221: {  	_ =	swait.ge [sflag:s10], $0x4000  }
0x222: {  	[sflag:s10] =	ssyncset.done $0x0  }
0x223: {  	[sflag:s10] =	ssyncadd.s32 $0xFFFFC000  }
0x224: {  	[tilespmem:s7], [sflag:$0x2] =	stream.indirect.gather [hbm4b:s2+s9], $0x40, s29, s9, $0xb8;
	[tilespmem:$0x9900] =	vst v63  }
0x225: {  	_ =	swait.ge [sflag:s3], $0x4000  }
0x226: {  	[sflag:s3] =	ssyncset.done $0x0  }
0x227: {  	s1 =	rddreg [dreg:$0xb];
	[sflag:s3] =	ssyncadd.s32 $0xFFFFC000  }
0x228: {  	[hbm4b:s1+s5] =	stream.strided.scatter [tilespmem:s4], [sflag:$0x3], $0x4000, s8, s5, $0x38;
	[tilespmem:$0x9900] =	vst v63  }
0x229: {  	_ =	swait.ge [sflag:s6], $0x4000  }
0x22a: {  	[sflag:s6] =	ssyncset.done $0x0  }
0x22b: {  	[sflag:s6] =	ssyncadd.s32 $0xFFFFC000  }
0x22c: {  	[tilespmem:s4], [sflag:$0x1] =	stream.indirect.gather [hbm4b:s2+s9], $0x40, s28, s9, $0xb8;
	[tilespmem:$0x9900] =	vst v63  }
0x22d: {  	_ =	swait.ge [sflag:s11], $0x4000  }
0x22e: {  	[sflag:s11] =	ssyncset.done $0x0  }
0x22f: {  	s18 =	rddreg [dreg:$0xc];
	[sflag:s11] =	ssyncadd.s32 $0xFFFFC000  }
0x230: {  	[hbm4b:s18+s5] =	stream.strided.scatter [tilespmem:s7], [sflag:$0x4], $0x4000, s8, s5, $0x38;
	[tilespmem:$0x9900] =	vst v63  }
0x231: {  	_ =	swait.ge [sflag:s10], $0x4000  }
0x232: {  	[sflag:s10] =	ssyncset.done $0x0  }
0x233: {  	[sflag:s10] =	ssyncadd.s32 $0xFFFFC000  }
0x234: {  	[tilespmem:s7], [sflag:$0x2] =	stream.indirect.gather [hbm4b:s2+s9], $0x40, s26, s9, $0xb8;
	[tilespmem:$0x9900] =	vst v63  }
0x235: {  	_ =	swait.ge [sflag:s3], $0x4000  }
0x236: {  	[sflag:s3] =	ssyncset.done $0x0  }
0x237: {  	s28 =	rddreg [dreg:$0xd];
	[sflag:s3] =	ssyncadd.s32 $0xFFFFC000  }
0x238: {  	[hbm4b:s28+s5] =	stream.strided.scatter [tilespmem:s4], [sflag:$0x3], $0x4000, s8, s5, $0x38;
	[tilespmem:$0x9900] =	vst v63  }
0x239: {  	_ =	swait.ge [sflag:s6], $0x4000  }
0x23a: {  	[sflag:s6] =	ssyncset.done $0x0  }
0x23b: {  	[sflag:s6] =	ssyncadd.s32 $0xFFFFC000  }
0x23c: {  	[tilespmem:s4], [sflag:$0x1] =	stream.indirect.gather [hbm4b:s2+s9], $0x40, s25, s9, $0xb8;
	[tilespmem:$0x9900] =	vst v63  }
0x23d: {  	_ =	swait.ge [sflag:s11], $0x4000  }
0x23e: {  	[sflag:s11] =	ssyncset.done $0x0  }
0x23f: {  	s29 =	rddreg [dreg:$0xe];
	[sflag:s11] =	ssyncadd.s32 $0xFFFFC000  }
0x240: {  	[hbm4b:s29+s5] =	stream.strided.scatter [tilespmem:s7], [sflag:$0x4], $0x4000, s8, s5, $0x38;
	[tilespmem:$0x9900] =	vst v63  }
0x241: {  	_ =	swait.ge [sflag:s10], $0x4000  }
0x242: {  	[sflag:s10] =	ssyncset.done $0x0  }
0x243: {  	[sflag:s10] =	ssyncadd.s32 $0xFFFFC000  }
0x244: {  	[tilespmem:s7], [sflag:$0x2] =	stream.indirect.gather [hbm4b:s2+s9], $0x40, s24, s9, $0xb8;
	[tilespmem:$0x9900] =	vst v63  }
0x245: {  	_ =	swait.ge [sflag:s3], $0x4000  }
0x246: {  	[sflag:s3] =	ssyncset.done $0x0  }
0x247: {  	s30 =	rddreg [dreg:$0xf];
	[sflag:s3] =	ssyncadd.s32 $0xFFFFC000  }
0x248: {  	[hbm4b:s30+s5] =	stream.strided.scatter [tilespmem:s4], [sflag:$0x3], $0x4000, s8, s5, $0x38;
	[tilespmem:$0x9900] =	vst v63  }
0x249: {  	_ =	swait.ge [sflag:s6], $0x4000  }
0x24a: {  	[sflag:s6] =	ssyncset.done $0x0  }
0x24b: {  	[sflag:s6] =	ssyncadd.s32 $0xFFFFC000  }
0x24c: {  	[tilespmem:s4], [sflag:$0x1] =	stream.indirect.gather [hbm4b:s2+s9], $0x40, s23, s9, $0xb8;
	[tilespmem:$0x9900] =	vst v63  }
0x24d: {  	_ =	swait.ge [sflag:s11], $0x4000  }
0x24e: {  	[sflag:s11] =	ssyncset.done $0x0  }
0x24f: {  	s31 =	rddreg [dreg:$0x10];
	[sflag:s11] =	ssyncadd.s32 $0xFFFFC000  }
0x250: {  	[hbm4b:s31+s5] =	stream.strided.scatter [tilespmem:s7], [sflag:$0x4], $0x4000, s8, s5, $0x38;
	[tilespmem:$0x9900] =	vst v63  }
0x251: {  	_ =	swait.ge [sflag:s10], $0x4000  }
0x252: {  	[sflag:s10] =	ssyncset.done $0x0  }
0x253: {  	[sflag:s10] =	ssyncadd.s32 $0xFFFFC000  }
0x254: {  	[tilespmem:s7], [sflag:$0x2] =	stream.indirect.gather [hbm4b:s2+s9], $0x40, s22, s9, $0xb8;
	[tilespmem:$0x9900] =	vst v63  }
0x255: {  	_ =	swait.ge [sflag:s3], $0x4000  }
0x256: {  	[sflag:s3] =	ssyncset.done $0x0  }
0x257: {  	s1 =	rddreg [dreg:$0x11];
	[sflag:s3] =	ssyncadd.s32 $0xFFFFC000  }
0x258: {  	[hbm4b:s1+s5] =	stream.strided.scatter [tilespmem:s4], [sflag:$0x3], $0x4000, s8, s5, $0x38;
	[tilespmem:$0x9900] =	vst v63  }
0x259: {  	_ =	swait.ge [sflag:s6], $0x4000  }
0x25a: {  	[sflag:s6] =	ssyncset.done $0x0  }
0x25b: {  	[sflag:s6] =	ssyncadd.s32 $0xFFFFC000  }
0x25c: {  	[tilespmem:s4], [sflag:$0x1] =	stream.indirect.gather [hbm4b:s2+s9], $0x40, s21, s9, $0xb8;
	[tilespmem:$0x9900] =	vst v63  }
0x25d: {  	_ =	swait.ge [sflag:s11], $0x4000  }
0x25e: {  	[sflag:s11] =	ssyncset.done $0x0  }
0x25f: {  	s18 =	rddreg [dreg:$0x12];
	[sflag:s11] =	ssyncadd.s32 $0xFFFFC000  }
0x260: {  	[hbm4b:s18+s5] =	stream.strided.scatter [tilespmem:s7], [sflag:$0x4], $0x4000, s8, s5, $0x38;
	[tilespmem:$0x9900] =	vst v63  }
0x261: {  	_ =	swait.ge [sflag:s10], $0x4000  }
0x262: {  	[sflag:s10] =	ssyncset.done $0x0  }
0x263: {  	[sflag:s10] =	ssyncadd.s32 $0xFFFFC000  }
0x264: {  	[tilespmem:s7], [sflag:$0x2] =	stream.indirect.gather [hbm4b:s2+s9], $0x40, s20, s9, $0xb8;
	[tilespmem:$0x9900] =	vst v63  }
0x265: {  	_ =	swait.ge [sflag:s3], $0x4000  }
0x266: {  	[sflag:s3] =	ssyncset.done $0x0  }
0x267: {  	s21 =	rddreg [dreg:$0x13];
	[sflag:s3] =	ssyncadd.s32 $0xFFFFC000  }
0x268: {  	[hbm4b:s21+s5] =	stream.strided.scatter [tilespmem:s4], [sflag:$0x3], $0x4000, s8, s5, $0x38;
	[tilespmem:$0x9900] =	vst v63  }
0x269: {  	_ =	swait.ge [sflag:s6], $0x4000  }
0x26a: {  	[sflag:s6] =	ssyncset.done $0x0  }
0x26b: {  	[sflag:s6] =	ssyncadd.s32 $0xFFFFC000  }
0x26c: {  	[tilespmem:s4], [sflag:$0x1] =	stream.indirect.gather [hbm4b:s2+s9], $0x40, s19, s9, $0xb8;
	[tilespmem:$0x9900] =	vst v63  }
0x26d: {  	_ =	swait.ge [sflag:s11], $0x4000  }
0x26e: {  	[sflag:s11] =	ssyncset.done $0x0  }
0x26f: {  	s22 =	rddreg [dreg:$0x14];
	[sflag:s11] =	ssyncadd.s32 $0xFFFFC000  }
0x270: {  	[hbm4b:s22+s5] =	stream.strided.scatter [tilespmem:s7], [sflag:$0x4], $0x4000, s8, s5, $0x38;
	[tilespmem:$0x9900] =	vst v63  }
0x271: {  	_ =	swait.ge [sflag:s10], $0x4000  }
0x272: {  	[sflag:s10] =	ssyncset.done $0x0  }
0x273: {  	[sflag:s10] =	ssyncadd.s32 $0xFFFFC000  }
0x274: {  	[tilespmem:s7], [sflag:$0x2] =	stream.indirect.gather [hbm4b:s2+s9], $0x40, s17, s9, $0xb8;
	[tilespmem:$0x9900] =	vst v63  }
0x275: {  	_ =	swait.ge [sflag:s3], $0x4000  }
0x276: {  	[sflag:s3] =	ssyncset.done $0x0  }
0x277: {  	s23 =	rddreg [dreg:$0x15];
	[sflag:s3] =	ssyncadd.s32 $0xFFFFC000  }
0x278: {  	[hbm4b:s23+s5] =	stream.strided.scatter [tilespmem:s4], [sflag:$0x3], $0x4000, s8, s5, $0x38;
	[tilespmem:$0x9900] =	vst v63  }
0x279: {  	_ =	swait.ge [sflag:s6], $0x4000  }
0x27a: {  	[sflag:s6] =	ssyncset.done $0x0  }
0x27b: {  	[sflag:s6] =	ssyncadd.s32 $0xFFFFC000  }
0x27c: {  	[tilespmem:s4], [sflag:$0x1] =	stream.indirect.gather [hbm4b:s2+s9], $0x40, s16, s9, $0xb8;
	[tilespmem:$0x9900] =	vst v63  }
0x27d: {  	_ =	swait.ge [sflag:s11], $0x4000  }
0x27e: {  	[sflag:s11] =	ssyncset.done $0x0  }
0x27f: {  	s24 =	rddreg [dreg:$0x16];
	[sflag:s11] =	ssyncadd.s32 $0xFFFFC000  }
0x280: {  	[hbm4b:s24+s5] =	stream.strided.scatter [tilespmem:s7], [sflag:$0x4], $0x4000, s8, s5, $0x38;
	[tilespmem:$0x9900] =	vst v63  }
0x281: {  	_ =	swait.ge [sflag:s10], $0x4000  }
0x282: {  	[sflag:s10] =	ssyncset.done $0x0  }
0x283: {  	[sflag:s10] =	ssyncadd.s32 $0xFFFFC000  }
0x284: {  	[tilespmem:s7], [sflag:$0x2] =	stream.indirect.gather [hbm4b:s2+s9], $0x40, s15, s9, $0xb8;
	[tilespmem:$0x9900] =	vst v63  }
0x285: {  	_ =	swait.ge [sflag:s3], $0x4000  }
0x286: {  	[sflag:s3] =	ssyncset.done $0x0  }
0x287: {  	s25 =	rddreg [dreg:$0x17];
	[sflag:s3] =	ssyncadd.s32 $0xFFFFC000  }
0x288: {  	[hbm4b:s25+s5] =	stream.strided.scatter [tilespmem:s4], [sflag:$0x3], $0x4000, s8, s5, $0x38;
	[tilespmem:$0x9900] =	vst v63  }
0x289: {  	_ =	swait.ge [sflag:s6], $0x4000  }
0x28a: {  	[sflag:s6] =	ssyncset.done $0x0  }
0x28b: {  	[sflag:s6] =	ssyncadd.s32 $0xFFFFC000  }
0x28c: {  	[tilespmem:s4], [sflag:$0x1] =	stream.indirect.gather [hbm4b:s2+s9], $0x40, s14, s9, $0xb8;
	[tilespmem:$0x9900] =	vst v63  }
0x28d: {  	_ =	swait.ge [sflag:s11], $0x4000  }
0x28e: {  	[sflag:s11] =	ssyncset.done $0x0  }
0x28f: {  	s26 =	rddreg [dreg:$0x18];
	[sflag:s11] =	ssyncadd.s32 $0xFFFFC000  }
0x290: {  	[hbm4b:s26+s5] =	stream.strided.scatter [tilespmem:s7], [sflag:$0x4], $0x4000, s8, s5, $0x38;
	[tilespmem:$0x9900] =	vst v63  }
0x291: {  	_ =	swait.ge [sflag:s10], $0x4000  }
0x292: {  	[sflag:s10] =	ssyncset.done $0x0  }
0x293: {  	[sflag:s10] =	ssyncadd.s32 $0xFFFFC000  }
0x294: {  	[tilespmem:s7], [sflag:$0x2] =	stream.indirect.gather [hbm4b:s2+s9], $0x40, s13, s9, $0xb8;
	[tilespmem:$0x9900] =	vst v63  }
0x295: {  	_ =	swait.ge [sflag:s3], $0x4000  }
0x296: {  	[sflag:s3] =	ssyncset.done $0x0  }
0x297: {  	s28 =	rddreg [dreg:$0x19];
	[sflag:s3] =	ssyncadd.s32 $0xFFFFC000  }
0x298: {  	[hbm4b:s28+s5] =	stream.strided.scatter [tilespmem:s4], [sflag:$0x3], $0x4000, s8, s5, $0x38;
	[tilespmem:$0x9900] =	vst v63  }
0x299: {  	_ =	swait.ge [sflag:s6], $0x4000  }
0x29a: {  	[sflag:s6] =	ssyncset.done $0x0  }
0x29b: {  	[sflag:s6] =	ssyncadd.s32 $0xFFFFC000  }
0x29c: {  	[tilespmem:s4], [sflag:$0x1] =	stream.indirect.gather [hbm4b:s2+s9], $0x40, s12, s9, $0xb8;
	[tilespmem:$0x9900] =	vst v63  }
0x29d: {  	_ =	swait.ge [sflag:s11], $0x4000  }
0x29e: {  	[sflag:s11] =	ssyncset.done $0x0  }
0x29f: {  	s29 =	rddreg [dreg:$0x1a];
	[sflag:s11] =	ssyncadd.s32 $0xFFFFC000  }
0x2a0: {  	[hbm4b:s29+s5] =	stream.strided.scatter [tilespmem:s7], [sflag:$0x4], $0x4000, s8, s5, $0x38;
	[tilespmem:$0x9900] =	vst v63  }
0x2a1: {  	_ =	swait.ge [sflag:s3], $0x4000  }
0x2a2: {  	[sflag:s3] =	ssyncset.done $0x0  }
0x2a3: {  	s30 =	rddreg [dreg:$0x1b];
	[sflag:s3] =	ssyncadd.s32 $0xFFFFC000  }
0x2a4: {  	[hbm4b:s30+s5] =	stream.strided.scatter [tilespmem:s4], [sflag:$0x3], $0x4000, s8, s5, $0x38;
	[tilespmem:$0x9900] =	vst v63  }
0x2a5: {  	_ =	swait.ge [sflag:s10], $0x4000  }
0x2a6: {  	[sflag:s10] =	ssyncset.done $0x0  }
0x2a7: {  	[sflag:s10] =	ssyncadd.s32 $0xFFFFC000  }
0x2a8: {  	_ =	swait.ge [sflag:s6], $0x4000  }
0x2a9: {  	[sflag:s6] =	ssyncset.done $0x0  }
0x2aa: {  	[sflag:s6] =	ssyncadd.s32 $0xFFFFC000  }
0x2ab: {  	_ =	sfence.sel $0x180000  }
0x2ac: {  	[bflag:$0x0] =	sbarrier.arrive $0xFFFF  }
0x2ad: {  	_ =	strace $0x90000047  }
0x2ae: {  	s31 =	stileid.u32;
	[bflag:$0x2] =	sbarrier.arrive $0xFFFF  }
0x2af: {  	p0 =	sne.s32 s31, $0x0;
	s0 =	rddreg [dreg:$0x1]  }
0x2b0: {  	s0 =	sadd.s32 @!p0 $0x100000, s0  }
0x2b1: {  	[sflag:s0] =	ssyncadd.tile.s32 @!p0 $0x1;
	_ =	shalt  }
.Lfunc_end2:
_tile_overlayer_lowered:
.L_overlay_start_2:
0x2b2: {  	(tag) =	ssettag $0x2  }
0x2b3: {  	s0 =	rddreg [dreg:$0x0];
	s2 =	stileid.u32  }
0x2b4: {  	s1 =	rddreg [dreg:$0x1];
	p0 =	sne.s32 s2, $0x0  }
0x2b5: {  	s3 =	rddreg [dreg:$0x2];
	[bflag:$0x3] =	sbarrier.arrive $0xFFFF;
	s2 =	simm.s32 @!p0 $0x1C05  }
0x2b6: {  	[timem:s3], [sflag:s2] =	dma.local @!p0 [hbm:s0], s1  }
0x2b7: {  	s0 =	simm.s32 @!p0 $0x5  }
0x2b8: {  	_ =	swait.ge @!p0 [sflag:s0], s1  }
0x2b9: {  	s1 =	ssub.s32 @!p0 $0x0, s1;
	[sflag:s0] =	ssyncset.done @!p0 $0x0  }
0x2ba: {  	[sflag:s0] =	ssyncadd.s32 @!p0 s1  }
0x2bb: {  	[bflag:$0x3] =	sbarrier.arrive $0xFFFF  }
0x2bc: {  	_ =	shalt  }

</sc_bundles>
